<compile_context>
chip_gen: v7x
topology: tpu7x:2x2x1
jax: 0.10.2.dev20260603
libtpu: 0.0.44.dev20260713+nightly
codegen_flags: <defaults>
</compile_context>

<pallas_src>
import functools

import jax
import jax.numpy as jnp
from jax import lax
from jax.experimental import pallas as pl
from jax.experimental.pallas import tpu as pltpu
from jax.experimental.pallas import tpu_sc as plsc

N = 1_000_000
L = 16
H = 2

BT = 114688
XB = 8
X = XB * BT
NW = 32
TAIL = 512
SCF = 999936 - X - TAIL
CH = SCF // NW
SCN = SCF + TAIL
REST = 64


def _make_sc_run():
    mesh = plsc.VectorSubcoreMesh(core_axis_name="c", subcore_axis_name="s")

    @functools.partial(
        pl.kernel,
        mesh=mesh,
        compiler_params=pltpu.CompilerParams(needs_layout_passes=False),
        out_type=jax.ShapeDtypeStruct((H, SCN), jnp.float32),
        scratch_types=[
            pltpu.VMEM((H * L * L,), jnp.float32),
            pltpu.VMEM((L, CH), jnp.float32),
            pltpu.VMEM((H, CH), jnp.float32),
        ],
    )
    def run(xt, w_hbm, ot, w_v, xb, ob):
        cid = lax.axis_index("c")
        sid = lax.axis_index("s")
        wid = sid * 2 + cid

        pltpu.sync_copy(w_hbm, w_v)

        w = [[w_v[pl.ds((h * L + j) * L, L)] for j in range(L)] for h in range(H)]

        def do_chunk(nvec):
            def vec_body(c, carry):
                base = c * L
                a0 = [None] * 4
                a1 = [None] * 4
                for j in range(L):
                    v = xb[j, pl.ds(base, L)]
                    k = j % 4
                    if j < 4:
                        a0[k] = v * w[0][j]
                        a1[k] = v * w[1][j]
                    else:
                        a0[k] = a0[k] + v * w[0][j]
                        a1[k] = a1[k] + v * w[1][j]
                ob[0, pl.ds(base, L)] = (a0[0] + a0[1]) + (a0[2] + a0[3])
                ob[1, pl.ds(base, L)] = (a1[0] + a1[1]) + (a1[2] + a1[3])
                return carry

            lax.fori_loop(0, nvec, vec_body, 0)

        a0 = wid * CH
        pltpu.sync_copy(xt.at[:, pl.ds(X + a0, CH)], xb)
        do_chunk(CH // L)
        pltpu.sync_copy(ob, ot.at[:, pl.ds(a0, CH)])

        @pl.when(wid == NW - 1)
        def _():
            pltpu.sync_copy(xt.at[:, pl.ds(X + SCF, TAIL)], xb.at[:, pl.ds(0, TAIL)])
            do_chunk(TAIL // L)
            pltpu.sync_copy(ob.at[:, pl.ds(0, TAIL)], ot.at[:, pl.ds(SCF, TAIL)])

    return run


_sc_run = _make_sc_run()


def _tc_body(w_ref, x_ref, o_ref):
    o_ref[...] = jax.lax.dot_general(
        w_ref[...], x_ref[...], (((1,), (0,)), ((), ())),
        preferred_element_type=jnp.float32,
    )


_tc_run = pl.pallas_call(
    _tc_body,
    grid=(XB,),
    in_specs=[
        pl.BlockSpec((H, L), lambda i: (0, 0)),
        pl.BlockSpec((L, BT), lambda i: (0, i)),
    ],
    out_specs=pl.BlockSpec((H, BT), lambda i: (0, i)),
    out_shape=jax.ShapeDtypeStruct((H, N), jnp.float32),
)


MBT = 131072


def _merge_body(o_in, sc_ref, tail_ref, o_ref):
    del o_in
    o_ref[:, :SCN] = sc_ref[...]
    o_ref[:, SCN : SCN + REST] = tail_ref[...]


_merge = pl.pallas_call(
    _merge_body,
    grid=(1,),
    in_specs=[
        pl.BlockSpec(memory_space=pltpu.MemorySpace.HBM),
        pl.BlockSpec((H, SCN), lambda i: (0, 0)),
        pl.BlockSpec((H, REST), lambda i: (0, 0)),
    ],
    out_specs=pl.BlockSpec((H, MBT), lambda i: (0, X // MBT)),
    out_shape=jax.ShapeDtypeStruct((H, N), jnp.float32),
    input_output_aliases={0: 0},
)


def kernel(x, atomic_energy):
    xt = x.T
    wb = jnp.repeat(atomic_energy.reshape(H * L), L)
    sc_out = _sc_run(xt, wb)
    out_t = _tc_run(atomic_energy, xt)
    tail_t = atomic_energy @ x[N - REST :, :].T
    out_t = _merge(out_t, sc_out, tail_t)
    return out_t.T

# --- scband reference (transcript-rebuilt; emitter-appended) ---
"""Pipeline reference for scband-one-hot-to-atomic-energy-35777077575990 (READ-ONLY COPY).

The authoritative reference and input builder live on the scoring server;
editing this copy changes nothing except your own understanding.
"""

import jax, jax.numpy as jnp
import numpy as np

_HEAD1 = [-13.587, -79.345, -203.12, -399.87, -665.21, -1029.84, -1485.3, -2042.6, -2713.4, -3508.1, -4412.9, -5443.2, -6604.5, -7902.1, -9342.7, -10932.4]
_HEAD2 = [-13.721, -80.102, -205.64, -403.11, -671.88, -1040.27, -1499.95, -2063.3, -2740.8, -3543.5, -4457.6, -5498.0, -6671.2, -7981.9, -9437.0, -11042.8]


def setup_inputs(seed: int = 0) -> dict:
    key = jax.random.key(seed)
    k1, _ = jax.random.split(key)
    # one-hot-style species encoding for 1M atoms, 16 species
    x = jax.random.uniform(k1, (1000000, 16), dtype=jnp.float32)
    # learned/buffer table built from init_kwargs atomic_energies: shape [n_heads=2, n_elements=16]
    atomic_energy = jnp.asarray(np.array([_HEAD1, _HEAD2], dtype=np.float32))
    return {"x": x, "atomic_energy": atomic_energy}


def reference(x, atomic_energy):
    # torch: torch.matmul(x, self.atomic_energy.T) -> [N_atoms, n_heads]
    return jnp.matmul(x, atomic_energy.T)

if __name__ == "__main__":
    import jax
    _d = setup_inputs()
    print(jax.jit(kernel)(*tuple(_d.values())))

</pallas_src>

<mosaic_0001>
#map = affine_map<(d0, d1) -> (0, 0)>
#map1 = affine_map<(d0, d1) -> (0)>
module attributes {stable_mosaic.version = 14 : i64} {
  func.func @run(%arg0: i32, %arg1: i32, %arg2: memref<16x1000000xf32, #tpu.memory_space<hbm>>, %arg3: memref<512xf32, #tpu.memory_space<hbm>>, %arg4: memref<2x82432xf32, #tpu.memory_space<hbm>>, %arg5: memref<512xf32, #tpu.memory_space<vmem>>, %arg6: memref<16x2560xf32, #tpu.memory_space<vmem>>, %arg7: memref<2x2560xf32, #tpu.memory_space<vmem>>) attributes {dimension_semantics = [#tpu.dimension_semantics<core_parallel>, #tpu.dimension_semantics<subcore_parallel>], iteration_bounds = array<i64: 2, 16>, scalar_prefetch = 0 : i64, scratch_operands = 3 : i64, tpu.core_type = #tpu.core_type<sc_vector_subcore>, window_params = [{transform_indices = #map}, {transform_indices = #map1}, {transform_indices = #map}]} {
    %mul3A = arith.constant 2 : i32
    %mul3A_0 = arith.muli %arg1, %mul3A : i32
    %add3A = arith.addi %mul3A_0, %arg0 : i32
    "tpu.region"() ({
      %run_scoped3A = tpu.sem_alloc : memref<!tpu.dma_semaphore, #tpu.memory_space<semaphore_mem>>
      tpu.enqueue_dma source(%arg3 : memref<512xf32, #tpu.memory_space<hbm>>) target(%arg5 : memref<512xf32, #tpu.memory_space<vmem>>) target_semaphore(%run_scoped3A : memref<!tpu.dma_semaphore, #tpu.memory_space<semaphore_mem>>)
      tpu.wait_dma2 semaphore(%run_scoped3A : memref<!tpu.dma_semaphore, #tpu.memory_space<semaphore_mem>>) src(%arg3 : memref<512xf32, #tpu.memory_space<hbm>>) dst(%arg5 : memref<512xf32, #tpu.memory_space<vmem>>)
      tpu.yield
    }) : () -> ()
    %get3A = arith.constant 0 : index
    %get3A_1 = tpu.vector_load %arg5[%get3A] {strides = array<i32>} : memref<512xf32, #tpu.memory_space<vmem>>, vector<16xf32>,
    %get3A_2 = arith.constant 16 : index
    %get3A_3 = tpu.vector_load %arg5[%get3A_2] {strides = array<i32>} : memref<512xf32, #tpu.memory_space<vmem>>, vector<16xf32>,
    %get3A_4 = arith.constant 32 : index
    %get3A_5 = tpu.vector_load %arg5[%get3A_4] {strides = array<i32>} : memref<512xf32, #tpu.memory_space<vmem>>, vector<16xf32>,
    %get3A_6 = arith.constant 48 : index
    %get3A_7 = tpu.vector_load %arg5[%get3A_6] {strides = array<i32>} : memref<512xf32, #tpu.memory_space<vmem>>, vector<16xf32>,
    %get3A_8 = arith.constant 64 : index
    %get3A_9 = tpu.vector_load %arg5[%get3A_8] {strides = array<i32>} : memref<512xf32, #tpu.memory_space<vmem>>, vector<16xf32>,
    %get3A_10 = arith.constant 80 : index
    %get3A_11 = tpu.vector_load %arg5[%get3A_10] {strides = array<i32>} : memref<512xf32, #tpu.memory_space<vmem>>, vector<16xf32>,
    %get3A_12 = arith.constant 96 : index
    %get3A_13 = tpu.vector_load %arg5[%get3A_12] {strides = array<i32>} : memref<512xf32, #tpu.memory_space<vmem>>, vector<16xf32>,
    %get3A_14 = arith.constant 112 : index
    %get3A_15 = tpu.vector_load %arg5[%get3A_14] {strides = array<i32>} : memref<512xf32, #tpu.memory_space<vmem>>, vector<16xf32>,
    %get3A_16 = arith.constant 128 : index
    %get3A_17 = tpu.vector_load %arg5[%get3A_16] {strides = array<i32>} : memref<512xf32, #tpu.memory_space<vmem>>, vector<16xf32>,
    %get3A_18 = arith.constant 144 : index
    %get3A_19 = tpu.vector_load %arg5[%get3A_18] {strides = array<i32>} : memref<512xf32, #tpu.memory_space<vmem>>, vector<16xf32>,
    %get3A_20 = arith.constant 160 : index
    %get3A_21 = tpu.vector_load %arg5[%get3A_20] {strides = array<i32>} : memref<512xf32, #tpu.memory_space<vmem>>, vector<16xf32>,
    %get3A_22 = arith.constant 176 : index
    %get3A_23 = tpu.vector_load %arg5[%get3A_22] {strides = array<i32>} : memref<512xf32, #tpu.memory_space<vmem>>, vector<16xf32>,
    %get3A_24 = arith.constant 192 : index
    %get3A_25 = tpu.vector_load %arg5[%get3A_24] {strides = array<i32>} : memref<512xf32, #tpu.memory_space<vmem>>, vector<16xf32>,
    %get3A_26 = arith.constant 208 : index
    %get3A_27 = tpu.vector_load %arg5[%get3A_26] {strides = array<i32>} : memref<512xf32, #tpu.memory_space<vmem>>, vector<16xf32>,
    %get3A_28 = arith.constant 224 : index
    %get3A_29 = tpu.vector_load %arg5[%get3A_28] {strides = array<i32>} : memref<512xf32, #tpu.memory_space<vmem>>, vector<16xf32>,
    %get3A_30 = arith.constant 240 : index
    %get3A_31 = tpu.vector_load %arg5[%get3A_30] {strides = array<i32>} : memref<512xf32, #tpu.memory_space<vmem>>, vector<16xf32>,
    %get3A_32 = arith.constant 256 : index
    %get3A_33 = tpu.vector_load %arg5[%get3A_32] {strides = array<i32>} : memref<512xf32, #tpu.memory_space<vmem>>, vector<16xf32>,
    %get3A_34 = arith.constant 272 : index
    %get3A_35 = tpu.vector_load %arg5[%get3A_34] {strides = array<i32>} : memref<512xf32, #tpu.memory_space<vmem>>, vector<16xf32>,
    %get3A_36 = arith.constant 288 : index
    %get3A_37 = tpu.vector_load %arg5[%get3A_36] {strides = array<i32>} : memref<512xf32, #tpu.memory_space<vmem>>, vector<16xf32>,
    %get3A_38 = arith.constant 304 : index
    %get3A_39 = tpu.vector_load %arg5[%get3A_38] {strides = array<i32>} : memref<512xf32, #tpu.memory_space<vmem>>, vector<16xf32>,
    %get3A_40 = arith.constant 320 : index
    %get3A_41 = tpu.vector_load %arg5[%get3A_40] {strides = array<i32>} : memref<512xf32, #tpu.memory_space<vmem>>, vector<16xf32>,
    %get3A_42 = arith.constant 336 : index
    %get3A_43 = tpu.vector_load %arg5[%get3A_42] {strides = array<i32>} : memref<512xf32, #tpu.memory_space<vmem>>, vector<16xf32>,
    %get3A_44 = arith.constant 352 : index
    %get3A_45 = tpu.vector_load %arg5[%get3A_44] {strides = array<i32>} : memref<512xf32, #tpu.memory_space<vmem>>, vector<16xf32>,
    %get3A_46 = arith.constant 368 : index
    %get3A_47 = tpu.vector_load %arg5[%get3A_46] {strides = array<i32>} : memref<512xf32, #tpu.memory_space<vmem>>, vector<16xf32>,
    %get3A_48 = arith.constant 384 : index
    %get3A_49 = tpu.vector_load %arg5[%get3A_48] {strides = array<i32>} : memref<512xf32, #tpu.memory_space<vmem>>, vector<16xf32>,
    %get3A_50 = arith.constant 400 : index
    %get3A_51 = tpu.vector_load %arg5[%get3A_50] {strides = array<i32>} : memref<512xf32, #tpu.memory_space<vmem>>, vector<16xf32>,
    %get3A_52 = arith.constant 416 : index
    %get3A_53 = tpu.vector_load %arg5[%get3A_52] {strides = array<i32>} : memref<512xf32, #tpu.memory_space<vmem>>, vector<16xf32>,
    %get3A_54 = arith.constant 432 : index
    %get3A_55 = tpu.vector_load %arg5[%get3A_54] {strides = array<i32>} : memref<512xf32, #tpu.memory_space<vmem>>, vector<16xf32>,
    %get3A_56 = arith.constant 448 : index
    %get3A_57 = tpu.vector_load %arg5[%get3A_56] {strides = array<i32>} : memref<512xf32, #tpu.memory_space<vmem>>, vector<16xf32>,
    %get3A_58 = arith.constant 464 : index
    %get3A_59 = tpu.vector_load %arg5[%get3A_58] {strides = array<i32>} : memref<512xf32, #tpu.memory_space<vmem>>, vector<16xf32>,
    %get3A_60 = arith.constant 480 : index
    %get3A_61 = tpu.vector_load %arg5[%get3A_60] {strides = array<i32>} : memref<512xf32, #tpu.memory_space<vmem>>, vector<16xf32>,
    %get3A_62 = arith.constant 496 : index
    %get3A_63 = tpu.vector_load %arg5[%get3A_62] {strides = array<i32>} : memref<512xf32, #tpu.memory_space<vmem>>, vector<16xf32>,
    %mul3A_64 = arith.constant 2560 : i32
    %mul3A_65 = arith.muli %add3A, %mul3A_64 : i32
    %add3A_66 = arith.constant 917504 : i32
    %add3A_67 = arith.addi %add3A_66, %mul3A_65 : i32
    "tpu.region"() ({
      %run_scoped3A = tpu.sem_alloc : memref<!tpu.dma_semaphore, #tpu.memory_space<semaphore_mem>>
      %dma_start3A = arith.constant 0 : i32
      %dma_start3A_75 = tpu.memref_slice %arg2[%dma_start3A, %add3A_67] : memref<16x1000000xf32, #tpu.memory_space<hbm>> -> memref<16x2560xf32, #tpu.memory_space<hbm>>
      %dma_start3A_76 = arith.constant 0 : i32
      %dma_start3A_77 = tpu.memref_slice %arg2[%dma_start3A_76, %add3A_67] : memref<16x1000000xf32, #tpu.memory_space<hbm>> -> memref<16x2560xf32, #tpu.memory_space<hbm>>
      tpu.enqueue_dma source(%dma_start3A_77 : memref<16x2560xf32, #tpu.memory_space<hbm>>) target(%arg6 : memref<16x2560xf32, #tpu.memory_space<vmem>>) target_semaphore(%run_scoped3A : memref<!tpu.dma_semaphore, #tpu.memory_space<semaphore_mem>>)
      %dma_wait3A = arith.constant 0 : i32
      %dma_wait3A_78 = tpu.memref_slice %arg2[%dma_wait3A, %add3A_67] : memref<16x1000000xf32, #tpu.memory_space<hbm>> -> memref<16x2560xf32, #tpu.memory_space<hbm>>
      %dma_wait3A_79 = arith.constant 0 : i32
      %dma_wait3A_80 = tpu.memref_slice %arg2[%dma_wait3A_79, %add3A_67] : memref<16x1000000xf32, #tpu.memory_space<hbm>> -> memref<16x2560xf32, #tpu.memory_space<hbm>>
      tpu.wait_dma2 semaphore(%run_scoped3A : memref<!tpu.dma_semaphore, #tpu.memory_space<semaphore_mem>>) src(%dma_wait3A_80 : memref<16x2560xf32, #tpu.memory_space<hbm>>) dst(%arg6 : memref<16x2560xf32, #tpu.memory_space<vmem>>)
      tpu.yield
    }) : () -> ()
    %scan3A = arith.constant 0 : i32
    %scan3A_68 = arith.constant 0 : i32
    %scan3A_69 = arith.constant 160 : i32
    %scan3A_70 = arith.addi %scan3A_68, %scan3A_69 : i32
    %scan3A_71 = arith.constant 1 : i32
    scf.for %scan3A_75 = %scan3A_68 to %scan3A_70 step %scan3A_71  : i32 {
      %mul3A_76 = arith.constant 16 : i32
      %mul3A_77 = arith.muli %scan3A_75, %mul3A_76 : i32
      %get3A_78 = arith.constant 0 : i32
      %get3A_79 = arith.index_cast %get3A_78 : i32 to index
      %get3A_80 = arith.index_cast %mul3A_77 : i32 to index
      %get3A_81 = tpu.vector_load %arg6[%get3A_79, %get3A_80] {strides = array<i32>} : memref<16x2560xf32, #tpu.memory_space<vmem>>, vector<16xf32>,
      %mul3A_82 = arith.mulf %get3A_81, %get3A_1 : vector<16xf32>
      %mul3A_83 = arith.mulf %get3A_81, %get3A_33 : vector<16xf32>
      %get3A_84 = arith.constant 1 : i32
      %get3A_85 = arith.index_cast %get3A_84 : i32 to index
      %get3A_86 = arith.index_cast %mul3A_77 : i32 to index
      %get3A_87 = tpu.vector_load %arg6[%get3A_85, %get3A_86] {strides = array<i32>} : memref<16x2560xf32, #tpu.memory_space<vmem>>, vector<16xf32>,
      %mul3A_88 = arith.mulf %get3A_87, %get3A_3 : vector<16xf32>
      %mul3A_89 = arith.mulf %get3A_87, %get3A_35 : vector<16xf32>
      %get3A_90 = arith.constant 2 : i32
      %get3A_91 = arith.index_cast %get3A_90 : i32 to index
      %get3A_92 = arith.index_cast %mul3A_77 : i32 to index
      %get3A_93 = tpu.vector_load %arg6[%get3A_91, %get3A_92] {strides = array<i32>} : memref<16x2560xf32, #tpu.memory_space<vmem>>, vector<16xf32>,
      %mul3A_94 = arith.mulf %get3A_93, %get3A_5 : vector<16xf32>
      %mul3A_95 = arith.mulf %get3A_93, %get3A_37 : vector<16xf32>
      %get3A_96 = arith.constant 3 : i32
      %get3A_97 = arith.index_cast %get3A_96 : i32 to index
      %get3A_98 = arith.index_cast %mul3A_77 : i32 to index
      %get3A_99 = tpu.vector_load %arg6[%get3A_97, %get3A_98] {strides = array<i32>} : memref<16x2560xf32, #tpu.memory_space<vmem>>, vector<16xf32>,
      %mul3A_100 = arith.mulf %get3A_99, %get3A_7 : vector<16xf32>
      %mul3A_101 = arith.mulf %get3A_99, %get3A_39 : vector<16xf32>
      %get3A_102 = arith.constant 4 : i32
      %get3A_103 = arith.index_cast %get3A_102 : i32 to index
      %get3A_104 = arith.index_cast %mul3A_77 : i32 to index
      %get3A_105 = tpu.vector_load %arg6[%get3A_103, %get3A_104] {strides = array<i32>} : memref<16x2560xf32, #tpu.memory_space<vmem>>, vector<16xf32>,
      %mul3A_106 = arith.mulf %get3A_105, %get3A_9 : vector<16xf32>
      %add3A_107 = arith.addf %mul3A_82, %mul3A_106 : vector<16xf32>
      %mul3A_108 = arith.mulf %get3A_105, %get3A_41 : vector<16xf32>
      %add3A_109 = arith.addf %mul3A_83, %mul3A_108 : vector<16xf32>
      %get3A_110 = arith.constant 5 : i32
      %get3A_111 = arith.index_cast %get3A_110 : i32 to index
      %get3A_112 = arith.index_cast %mul3A_77 : i32 to index
      %get3A_113 = tpu.vector_load %arg6[%get3A_111, %get3A_112] {strides = array<i32>} : memref<16x2560xf32, #tpu.memory_space<vmem>>, vector<16xf32>,
      %mul3A_114 = arith.mulf %get3A_113, %get3A_11 : vector<16xf32>
      %add3A_115 = arith.addf %mul3A_88, %mul3A_114 : vector<16xf32>
      %mul3A_116 = arith.mulf %get3A_113, %get3A_43 : vector<16xf32>
      %add3A_117 = arith.addf %mul3A_89, %mul3A_116 : vector<16xf32>
      %get3A_118 = arith.constant 6 : i32
      %get3A_119 = arith.index_cast %get3A_118 : i32 to index
      %get3A_120 = arith.index_cast %mul3A_77 : i32 to index
      %get3A_121 = tpu.vector_load %arg6[%get3A_119, %get3A_120] {strides = array<i32>} : memref<16x2560xf32, #tpu.memory_space<vmem>>, vector<16xf32>,
      %mul3A_122 = arith.mulf %get3A_121, %get3A_13 : vector<16xf32>
      %add3A_123 = arith.addf %mul3A_94, %mul3A_122 : vector<16xf32>
      %mul3A_124 = arith.mulf %get3A_121, %get3A_45 : vector<16xf32>
      %add3A_125 = arith.addf %mul3A_95, %mul3A_124 : vector<16xf32>
      %get3A_126 = arith.constant 7 : i32
      %get3A_127 = arith.index_cast %get3A_126 : i32 to index
      %get3A_128 = arith.index_cast %mul3A_77 : i32 to index
      %get3A_129 = tpu.vector_load %arg6[%get3A_127, %get3A_128] {strides = array<i32>} : memref<16x2560xf32, #tpu.memory_space<vmem>>, vector<16xf32>,
      %mul3A_130 = arith.mulf %get3A_129, %get3A_15 : vector<16xf32>
      %add3A_131 = arith.addf %mul3A_100, %mul3A_130 : vector<16xf32>
      %mul3A_132 = arith.mulf %get3A_129, %get3A_47 : vector<16xf32>
      %add3A_133 = arith.addf %mul3A_101, %mul3A_132 : vector<16xf32>
      %get3A_134 = arith.constant 8 : i32
      %get3A_135 = arith.index_cast %get3A_134 : i32 to index
      %get3A_136 = arith.index_cast %mul3A_77 : i32 to index
      %get3A_137 = tpu.vector_load %arg6[%get3A_135, %get3A_136] {strides = array<i32>} : memref<16x2560xf32, #tpu.memory_space<vmem>>, vector<16xf32>,
      %mul3A_138 = arith.mulf %get3A_137, %get3A_17 : vector<16xf32>
      %add3A_139 = arith.addf %add3A_107, %mul3A_138 : vector<16xf32>
      %mul3A_140 = arith.mulf %get3A_137, %get3A_49 : vector<16xf32>
      %add3A_141 = arith.addf %add3A_109, %mul3A_140 : vector<16xf32>
      %get3A_142 = arith.constant 9 : i32
      %get3A_143 = arith.index_cast %get3A_142 : i32 to index
      %get3A_144 = arith.index_cast %mul3A_77 : i32 to index
      %get3A_145 = tpu.vector_load %arg6[%get3A_143, %get3A_144] {strides = array<i32>} : memref<16x2560xf32, #tpu.memory_space<vmem>>, vector<16xf32>,
      %mul3A_146 = arith.mulf %get3A_145, %get3A_19 : vector<16xf32>
      %add3A_147 = arith.addf %add3A_115, %mul3A_146 : vector<16xf32>
      %mul3A_148 = arith.mulf %get3A_145, %get3A_51 : vector<16xf32>
      %add3A_149 = arith.addf %add3A_117, %mul3A_148 : vector<16xf32>
      %get3A_150 = arith.constant 10 : i32
      %get3A_151 = arith.index_cast %get3A_150 : i32 to index
      %get3A_152 = arith.index_cast %mul3A_77 : i32 to index
      %get3A_153 = tpu.vector_load %arg6[%get3A_151, %get3A_152] {strides = array<i32>} : memref<16x2560xf32, #tpu.memory_space<vmem>>, vector<16xf32>,
      %mul3A_154 = arith.mulf %get3A_153, %get3A_21 : vector<16xf32>
      %add3A_155 = arith.addf %add3A_123, %mul3A_154 : vector<16xf32>
      %mul3A_156 = arith.mulf %get3A_153, %get3A_53 : vector<16xf32>
      %add3A_157 = arith.addf %add3A_125, %mul3A_156 : vector<16xf32>
      %get3A_158 = arith.constant 11 : i32
      %get3A_159 = arith.index_cast %get3A_158 : i32 to index
      %get3A_160 = arith.index_cast %mul3A_77 : i32 to index
      %get3A_161 = tpu.vector_load %arg6[%get3A_159, %get3A_160] {strides = array<i32>} : memref<16x2560xf32, #tpu.memory_space<vmem>>, vector<16xf32>,
      %mul3A_162 = arith.mulf %get3A_161, %get3A_23 : vector<16xf32>
      %add3A_163 = arith.addf %add3A_131, %mul3A_162 : vector<16xf32>
      %mul3A_164 = arith.mulf %get3A_161, %get3A_55 : vector<16xf32>
      %add3A_165 = arith.addf %add3A_133, %mul3A_164 : vector<16xf32>
      %get3A_166 = arith.constant 12 : i32
      %get3A_167 = arith.index_cast %get3A_166 : i32 to index
      %get3A_168 = arith.index_cast %mul3A_77 : i32 to index
      %get3A_169 = tpu.vector_load %arg6[%get3A_167, %get3A_168] {strides = array<i32>} : memref<16x2560xf32, #tpu.memory_space<vmem>>, vector<16xf32>,
      %mul3A_170 = arith.mulf %get3A_169, %get3A_25 : vector<16xf32>
      %add3A_171 = arith.addf %add3A_139, %mul3A_170 : vector<16xf32>
      %mul3A_172 = arith.mulf %get3A_169, %get3A_57 : vector<16xf32>
      %add3A_173 = arith.addf %add3A_141, %mul3A_172 : vector<16xf32>
      %get3A_174 = arith.constant 13 : i32
      %get3A_175 = arith.index_cast %get3A_174 : i32 to index
      %get3A_176 = arith.index_cast %mul3A_77 : i32 to index
      %get3A_177 = tpu.vector_load %arg6[%get3A_175, %get3A_176] {strides = array<i32>} : memref<16x2560xf32, #tpu.memory_space<vmem>>, vector<16xf32>,
      %mul3A_178 = arith.mulf %get3A_177, %get3A_27 : vector<16xf32>
      %add3A_179 = arith.addf %add3A_147, %mul3A_178 : vector<16xf32>
      %mul3A_180 = arith.mulf %get3A_177, %get3A_59 : vector<16xf32>
      %add3A_181 = arith.addf %add3A_149, %mul3A_180 : vector<16xf32>
      %get3A_182 = arith.constant 14 : i32
      %get3A_183 = arith.index_cast %get3A_182 : i32 to index
      %get3A_184 = arith.index_cast %mul3A_77 : i32 to index
      %get3A_185 = tpu.vector_load %arg6[%get3A_183, %get3A_184] {strides = array<i32>} : memref<16x2560xf32, #tpu.memory_space<vmem>>, vector<16xf32>,
      %mul3A_186 = arith.mulf %get3A_185, %get3A_29 : vector<16xf32>
      %add3A_187 = arith.addf %add3A_155, %mul3A_186 : vector<16xf32>
      %mul3A_188 = arith.mulf %get3A_185, %get3A_61 : vector<16xf32>
      %add3A_189 = arith.addf %add3A_157, %mul3A_188 : vector<16xf32>
      %get3A_190 = arith.constant 15 : i32
      %get3A_191 = arith.index_cast %get3A_190 : i32 to index
      %get3A_192 = arith.index_cast %mul3A_77 : i32 to index
      %get3A_193 = tpu.vector_load %arg6[%get3A_191, %get3A_192] {strides = array<i32>} : memref<16x2560xf32, #tpu.memory_space<vmem>>, vector<16xf32>,
      %mul3A_194 = arith.mulf %get3A_193, %get3A_31 : vector<16xf32>
      %add3A_195 = arith.addf %add3A_163, %mul3A_194 : vector<16xf32>
      %mul3A_196 = arith.mulf %get3A_193, %get3A_63 : vector<16xf32>
      %add3A_197 = arith.addf %add3A_165, %mul3A_196 : vector<16xf32>
      %add3A_198 = arith.addf %add3A_171, %add3A_179 : vector<16xf32>
      %add3A_199 = arith.addf %add3A_187, %add3A_195 : vector<16xf32>
      %add3A_200 = arith.addf %add3A_198, %add3A_199 : vector<16xf32>
      %swap3A = arith.constant 0 : i32
      %swap3A_201 = arith.index_cast %swap3A : i32 to index
      %swap3A_202 = arith.index_cast %mul3A_77 : i32 to index
      %swap3A_203 = tpu.vector_load %arg7[%swap3A_201, %swap3A_202] {strides = array<i32>} : memref<2x2560xf32, #tpu.memory_space<vmem>>, vector<16xf32>,
      tpu.vector_store %arg7[%swap3A_201, %swap3A_202], %add3A_200 {strides = array<i32>} : memref<2x2560xf32, #tpu.memory_space<vmem>>, vector<16xf32>,
      %add3A_204 = arith.addf %add3A_173, %add3A_181 : vector<16xf32>
      %add3A_205 = arith.addf %add3A_189, %add3A_197 : vector<16xf32>
      %add3A_206 = arith.addf %add3A_204, %add3A_205 : vector<16xf32>
      %swap3A_207 = arith.constant 1 : i32
      %swap3A_208 = arith.index_cast %swap3A_207 : i32 to index
      %swap3A_209 = arith.index_cast %mul3A_77 : i32 to index
      %swap3A_210 = tpu.vector_load %arg7[%swap3A_208, %swap3A_209] {strides = array<i32>} : memref<2x2560xf32, #tpu.memory_space<vmem>>, vector<16xf32>,
      tpu.vector_store %arg7[%swap3A_208, %swap3A_209], %add3A_206 {strides = array<i32>} : memref<2x2560xf32, #tpu.memory_space<vmem>>, vector<16xf32>,
    }
    %scan3A_72 = arith.constant 160 : i32
    "tpu.region"() ({
      %run_scoped3A = tpu.sem_alloc : memref<!tpu.dma_semaphore, #tpu.memory_space<semaphore_mem>>
      %dma_start3A = arith.constant 0 : i32
      %dma_start3A_75 = tpu.memref_slice %arg4[%dma_start3A, %mul3A_65] : memref<2x82432xf32, #tpu.memory_space<hbm>> -> memref<2x2560xf32, #tpu.memory_space<hbm>>
      %dma_start3A_76 = arith.constant 0 : i32
      %dma_start3A_77 = tpu.memref_slice %arg4[%dma_start3A_76, %mul3A_65] : memref<2x82432xf32, #tpu.memory_space<hbm>> -> memref<2x2560xf32, #tpu.memory_space<hbm>>
      tpu.enqueue_dma source(%arg7 : memref<2x2560xf32, #tpu.memory_space<vmem>>) target(%dma_start3A_77 : memref<2x2560xf32, #tpu.memory_space<hbm>>) target_semaphore(%run_scoped3A : memref<!tpu.dma_semaphore, #tpu.memory_space<semaphore_mem>>)
      %dma_wait3A = arith.constant 0 : i32
      %dma_wait3A_78 = tpu.memref_slice %arg4[%dma_wait3A, %mul3A_65] : memref<2x82432xf32, #tpu.memory_space<hbm>> -> memref<2x2560xf32, #tpu.memory_space<hbm>>
      %dma_wait3A_79 = arith.constant 0 : i32
      %dma_wait3A_80 = tpu.memref_slice %arg4[%dma_wait3A_79, %mul3A_65] : memref<2x82432xf32, #tpu.memory_space<hbm>> -> memref<2x2560xf32, #tpu.memory_space<hbm>>
      tpu.wait_dma2 semaphore(%run_scoped3A : memref<!tpu.dma_semaphore, #tpu.memory_space<semaphore_mem>>) src(%arg7 : memref<2x2560xf32, #tpu.memory_space<vmem>>) dst(%dma_wait3A_80 : memref<2x2560xf32, #tpu.memory_space<hbm>>)
      tpu.yield
    }) : () -> ()
    %eq3A = arith.constant 31 : i32
    %eq3A_73 = arith.cmpi eq, %add3A, %eq3A : i32
    %convert_element_type3A = arith.extui %eq3A_73 : i1 to i32
    %cond3A = arith.constant 0 : i32
    %cond3A_74 = arith.cmpi ne, %convert_element_type3A, %cond3A : i32
    scf.if %cond3A_74 {
      "tpu.region"() ({
        %run_scoped3A = tpu.sem_alloc : memref<!tpu.dma_semaphore, #tpu.memory_space<semaphore_mem>>
        %dma_start3A = arith.constant 0 : i32
        %dma_start3A_81 = arith.constant 0 : i32
        %dma_start3A_82 = tpu.memref_slice %arg6[%dma_start3A, %dma_start3A_81] : memref<16x2560xf32, #tpu.memory_space<vmem>> -> memref<16x512xf32, #tpu.memory_space<vmem>>
        %dma_start3A_83 = arith.constant 0 : i32
        %dma_start3A_84 = arith.constant 999424 : i32
        %dma_start3A_85 = tpu.memref_slice %arg2[%dma_start3A_83, %dma_start3A_84] : memref<16x1000000xf32, #tpu.memory_space<hbm>> -> memref<16x512xf32, #tpu.memory_space<hbm>>
        %dma_start3A_86 = arith.constant 0 : i32
        %dma_start3A_87 = arith.constant 0 : i32
        %dma_start3A_88 = tpu.memref_slice %arg6[%dma_start3A_86, %dma_start3A_87] : memref<16x2560xf32, #tpu.memory_space<vmem>> -> memref<16x512xf32, #tpu.memory_space<vmem>>
        %dma_start3A_89 = arith.constant 0 : i32
        %dma_start3A_90 = arith.constant 999424 : i32
        %dma_start3A_91 = tpu.memref_slice %arg2[%dma_start3A_89, %dma_start3A_90] : memref<16x1000000xf32, #tpu.memory_space<hbm>> -> memref<16x512xf32, #tpu.memory_space<hbm>>
        tpu.enqueue_dma source(%dma_start3A_91 : memref<16x512xf32, #tpu.memory_space<hbm>>) target(%dma_start3A_88 : memref<16x512xf32, #tpu.memory_space<vmem>>) target_semaphore(%run_scoped3A : memref<!tpu.dma_semaphore, #tpu.memory_space<semaphore_mem>>)
        %dma_wait3A = arith.constant 0 : i32
        %dma_wait3A_92 = arith.constant 0 : i32
        %dma_wait3A_93 = tpu.memref_slice %arg6[%dma_wait3A, %dma_wait3A_92] : memref<16x2560xf32, #tpu.memory_space<vmem>> -> memref<16x512xf32, #tpu.memory_space<vmem>>
        %dma_wait3A_94 = arith.constant 0 : i32
        %dma_wait3A_95 = arith.constant 999424 : i32
        %dma_wait3A_96 = tpu.memref_slice %arg2[%dma_wait3A_94, %dma_wait3A_95] : memref<16x1000000xf32, #tpu.memory_space<hbm>> -> memref<16x512xf32, #tpu.memory_space<hbm>>
        %dma_wait3A_97 = arith.constant 0 : i32
        %dma_wait3A_98 = arith.constant 0 : i32
        %dma_wait3A_99 = tpu.memref_slice %arg6[%dma_wait3A_97, %dma_wait3A_98] : memref<16x2560xf32, #tpu.memory_space<vmem>> -> memref<16x512xf32, #tpu.memory_space<vmem>>
        %dma_wait3A_100 = arith.constant 0 : i32
        %dma_wait3A_101 = arith.constant 999424 : i32
        %dma_wait3A_102 = tpu.memref_slice %arg2[%dma_wait3A_100, %dma_wait3A_101] : memref<16x1000000xf32, #tpu.memory_space<hbm>> -> memref<16x512xf32, #tpu.memory_space<hbm>>
        tpu.wait_dma2 semaphore(%run_scoped3A : memref<!tpu.dma_semaphore, #tpu.memory_space<semaphore_mem>>) src(%dma_wait3A_102 : memref<16x512xf32, #tpu.memory_space<hbm>>) dst(%dma_wait3A_99 : memref<16x512xf32, #tpu.memory_space<vmem>>)
        tpu.yield
      }) : () -> ()
      %scan3A_75 = arith.constant 0 : i32
      %scan3A_76 = arith.constant 0 : i32
      %scan3A_77 = arith.constant 32 : i32
      %scan3A_78 = arith.addi %scan3A_76, %scan3A_77 : i32
      %scan3A_79 = arith.constant 1 : i32
      scf.for %scan3A_81 = %scan3A_76 to %scan3A_78 step %scan3A_79  : i32 {
        %mul3A_82 = arith.constant 16 : i32
        %mul3A_83 = arith.muli %scan3A_81, %mul3A_82 : i32
        %get3A_84 = arith.constant 0 : i32
        %get3A_85 = arith.index_cast %get3A_84 : i32 to index
        %get3A_86 = arith.index_cast %mul3A_83 : i32 to index
        %get3A_87 = tpu.vector_load %arg6[%get3A_85, %get3A_86] {strides = array<i32>} : memref<16x2560xf32, #tpu.memory_space<vmem>>, vector<16xf32>,
        %mul3A_88 = arith.mulf %get3A_87, %get3A_1 : vector<16xf32>
        %mul3A_89 = arith.mulf %get3A_87, %get3A_33 : vector<16xf32>
        %get3A_90 = arith.constant 1 : i32
        %get3A_91 = arith.index_cast %get3A_90 : i32 to index
        %get3A_92 = arith.index_cast %mul3A_83 : i32 to index
        %get3A_93 = tpu.vector_load %arg6[%get3A_91, %get3A_92] {strides = array<i32>} : memref<16x2560xf32, #tpu.memory_space<vmem>>, vector<16xf32>,
        %mul3A_94 = arith.mulf %get3A_93, %get3A_3 : vector<16xf32>
        %mul3A_95 = arith.mulf %get3A_93, %get3A_35 : vector<16xf32>
        %get3A_96 = arith.constant 2 : i32
        %get3A_97 = arith.index_cast %get3A_96 : i32 to index
        %get3A_98 = arith.index_cast %mul3A_83 : i32 to index
        %get3A_99 = tpu.vector_load %arg6[%get3A_97, %get3A_98] {strides = array<i32>} : memref<16x2560xf32, #tpu.memory_space<vmem>>, vector<16xf32>,
        %mul3A_100 = arith.mulf %get3A_99, %get3A_5 : vector<16xf32>
        %mul3A_101 = arith.mulf %get3A_99, %get3A_37 : vector<16xf32>
        %get3A_102 = arith.constant 3 : i32
        %get3A_103 = arith.index_cast %get3A_102 : i32 to index
        %get3A_104 = arith.index_cast %mul3A_83 : i32 to index
        %get3A_105 = tpu.vector_load %arg6[%get3A_103, %get3A_104] {strides = array<i32>} : memref<16x2560xf32, #tpu.memory_space<vmem>>, vector<16xf32>,
        %mul3A_106 = arith.mulf %get3A_105, %get3A_7 : vector<16xf32>
        %mul3A_107 = arith.mulf %get3A_105, %get3A_39 : vector<16xf32>
        %get3A_108 = arith.constant 4 : i32
        %get3A_109 = arith.index_cast %get3A_108 : i32 to index
        %get3A_110 = arith.index_cast %mul3A_83 : i32 to index
        %get3A_111 = tpu.vector_load %arg6[%get3A_109, %get3A_110] {strides = array<i32>} : memref<16x2560xf32, #tpu.memory_space<vmem>>, vector<16xf32>,
        %mul3A_112 = arith.mulf %get3A_111, %get3A_9 : vector<16xf32>
        %add3A_113 = arith.addf %mul3A_88, %mul3A_112 : vector<16xf32>
        %mul3A_114 = arith.mulf %get3A_111, %get3A_41 : vector<16xf32>
        %add3A_115 = arith.addf %mul3A_89, %mul3A_114 : vector<16xf32>
        %get3A_116 = arith.constant 5 : i32
        %get3A_117 = arith.index_cast %get3A_116 : i32 to index
        %get3A_118 = arith.index_cast %mul3A_83 : i32 to index
        %get3A_119 = tpu.vector_load %arg6[%get3A_117, %get3A_118] {strides = array<i32>} : memref<16x2560xf32, #tpu.memory_space<vmem>>, vector<16xf32>,
        %mul3A_120 = arith.mulf %get3A_119, %get3A_11 : vector<16xf32>
        %add3A_121 = arith.addf %mul3A_94, %mul3A_120 : vector<16xf32>
        %mul3A_122 = arith.mulf %get3A_119, %get3A_43 : vector<16xf32>
        %add3A_123 = arith.addf %mul3A_95, %mul3A_122 : vector<16xf32>
        %get3A_124 = arith.constant 6 : i32
        %get3A_125 = arith.index_cast %get3A_124 : i32 to index
        %get3A_126 = arith.index_cast %mul3A_83 : i32 to index
        %get3A_127 = tpu.vector_load %arg6[%get3A_125, %get3A_126] {strides = array<i32>} : memref<16x2560xf32, #tpu.memory_space<vmem>>, vector<16xf32>,
        %mul3A_128 = arith.mulf %get3A_127, %get3A_13 : vector<16xf32>
        %add3A_129 = arith.addf %mul3A_100, %mul3A_128 : vector<16xf32>
        %mul3A_130 = arith.mulf %get3A_127, %get3A_45 : vector<16xf32>
        %add3A_131 = arith.addf %mul3A_101, %mul3A_130 : vector<16xf32>
        %get3A_132 = arith.constant 7 : i32
        %get3A_133 = arith.index_cast %get3A_132 : i32 to index
        %get3A_134 = arith.index_cast %mul3A_83 : i32 to index
        %get3A_135 = tpu.vector_load %arg6[%get3A_133, %get3A_134] {strides = array<i32>} : memref<16x2560xf32, #tpu.memory_space<vmem>>, vector<16xf32>,
        %mul3A_136 = arith.mulf %get3A_135, %get3A_15 : vector<16xf32>
        %add3A_137 = arith.addf %mul3A_106, %mul3A_136 : vector<16xf32>
        %mul3A_138 = arith.mulf %get3A_135, %get3A_47 : vector<16xf32>
        %add3A_139 = arith.addf %mul3A_107, %mul3A_138 : vector<16xf32>
        %get3A_140 = arith.constant 8 : i32
        %get3A_141 = arith.index_cast %get3A_140 : i32 to index
        %get3A_142 = arith.index_cast %mul3A_83 : i32 to index
        %get3A_143 = tpu.vector_load %arg6[%get3A_141, %get3A_142] {strides = array<i32>} : memref<16x2560xf32, #tpu.memory_space<vmem>>, vector<16xf32>,
        %mul3A_144 = arith.mulf %get3A_143, %get3A_17 : vector<16xf32>
        %add3A_145 = arith.addf %add3A_113, %mul3A_144 : vector<16xf32>
        %mul3A_146 = arith.mulf %get3A_143, %get3A_49 : vector<16xf32>
        %add3A_147 = arith.addf %add3A_115, %mul3A_146 : vector<16xf32>
        %get3A_148 = arith.constant 9 : i32
        %get3A_149 = arith.index_cast %get3A_148 : i32 to index
        %get3A_150 = arith.index_cast %mul3A_83 : i32 to index
        %get3A_151 = tpu.vector_load %arg6[%get3A_149, %get3A_150] {strides = array<i32>} : memref<16x2560xf32, #tpu.memory_space<vmem>>, vector<16xf32>,
        %mul3A_152 = arith.mulf %get3A_151, %get3A_19 : vector<16xf32>
        %add3A_153 = arith.addf %add3A_121, %mul3A_152 : vector<16xf32>
        %mul3A_154 = arith.mulf %get3A_151, %get3A_51 : vector<16xf32>
        %add3A_155 = arith.addf %add3A_123, %mul3A_154 : vector<16xf32>
        %get3A_156 = arith.constant 10 : i32
        %get3A_157 = arith.index_cast %get3A_156 : i32 to index
        %get3A_158 = arith.index_cast %mul3A_83 : i32 to index
        %get3A_159 = tpu.vector_load %arg6[%get3A_157, %get3A_158] {strides = array<i32>} : memref<16x2560xf32, #tpu.memory_space<vmem>>, vector<16xf32>,
        %mul3A_160 = arith.mulf %get3A_159, %get3A_21 : vector<16xf32>
        %add3A_161 = arith.addf %add3A_129, %mul3A_160 : vector<16xf32>
        %mul3A_162 = arith.mulf %get3A_159, %get3A_53 : vector<16xf32>
        %add3A_163 = arith.addf %add3A_131, %mul3A_162 : vector<16xf32>
        %get3A_164 = arith.constant 11 : i32
        %get3A_165 = arith.index_cast %get3A_164 : i32 to index
        %get3A_166 = arith.index_cast %mul3A_83 : i32 to index
        %get3A_167 = tpu.vector_load %arg6[%get3A_165, %get3A_166] {strides = array<i32>} : memref<16x2560xf32, #tpu.memory_space<vmem>>, vector<16xf32>,
        %mul3A_168 = arith.mulf %get3A_167, %get3A_23 : vector<16xf32>
        %add3A_169 = arith.addf %add3A_137, %mul3A_168 : vector<16xf32>
        %mul3A_170 = arith.mulf %get3A_167, %get3A_55 : vector<16xf32>
        %add3A_171 = arith.addf %add3A_139, %mul3A_170 : vector<16xf32>
        %get3A_172 = arith.constant 12 : i32
        %get3A_173 = arith.index_cast %get3A_172 : i32 to index
        %get3A_174 = arith.index_cast %mul3A_83 : i32 to index
        %get3A_175 = tpu.vector_load %arg6[%get3A_173, %get3A_174] {strides = array<i32>} : memref<16x2560xf32, #tpu.memory_space<vmem>>, vector<16xf32>,
        %mul3A_176 = arith.mulf %get3A_175, %get3A_25 : vector<16xf32>
        %add3A_177 = arith.addf %add3A_145, %mul3A_176 : vector<16xf32>
        %mul3A_178 = arith.mulf %get3A_175, %get3A_57 : vector<16xf32>
        %add3A_179 = arith.addf %add3A_147, %mul3A_178 : vector<16xf32>
        %get3A_180 = arith.constant 13 : i32
        %get3A_181 = arith.index_cast %get3A_180 : i32 to index
        %get3A_182 = arith.index_cast %mul3A_83 : i32 to index
        %get3A_183 = tpu.vector_load %arg6[%get3A_181, %get3A_182] {strides = array<i32>} : memref<16x2560xf32, #tpu.memory_space<vmem>>, vector<16xf32>,
        %mul3A_184 = arith.mulf %get3A_183, %get3A_27 : vector<16xf32>
        %add3A_185 = arith.addf %add3A_153, %mul3A_184 : vector<16xf32>
        %mul3A_186 = arith.mulf %get3A_183, %get3A_59 : vector<16xf32>
        %add3A_187 = arith.addf %add3A_155, %mul3A_186 : vector<16xf32>
        %get3A_188 = arith.constant 14 : i32
        %get3A_189 = arith.index_cast %get3A_188 : i32 to index
        %get3A_190 = arith.index_cast %mul3A_83 : i32 to index
        %get3A_191 = tpu.vector_load %arg6[%get3A_189, %get3A_190] {strides = array<i32>} : memref<16x2560xf32, #tpu.memory_space<vmem>>, vector<16xf32>,
        %mul3A_192 = arith.mulf %get3A_191, %get3A_29 : vector<16xf32>
        %add3A_193 = arith.addf %add3A_161, %mul3A_192 : vector<16xf32>
        %mul3A_194 = arith.mulf %get3A_191, %get3A_61 : vector<16xf32>
        %add3A_195 = arith.addf %add3A_163, %mul3A_194 : vector<16xf32>
        %get3A_196 = arith.constant 15 : i32
        %get3A_197 = arith.index_cast %get3A_196 : i32 to index
        %get3A_198 = arith.index_cast %mul3A_83 : i32 to index
        %get3A_199 = tpu.vector_load %arg6[%get3A_197, %get3A_198] {strides = array<i32>} : memref<16x2560xf32, #tpu.memory_space<vmem>>, vector<16xf32>,
        %mul3A_200 = arith.mulf %get3A_199, %get3A_31 : vector<16xf32>
        %add3A_201 = arith.addf %add3A_169, %mul3A_200 : vector<16xf32>
        %mul3A_202 = arith.mulf %get3A_199, %get3A_63 : vector<16xf32>
        %add3A_203 = arith.addf %add3A_171, %mul3A_202 : vector<16xf32>
        %add3A_204 = arith.addf %add3A_177, %add3A_185 : vector<16xf32>
        %add3A_205 = arith.addf %add3A_193, %add3A_201 : vector<16xf32>
        %add3A_206 = arith.addf %add3A_204, %add3A_205 : vector<16xf32>
        %swap3A = arith.constant 0 : i32
        %swap3A_207 = arith.index_cast %swap3A : i32 to index
        %swap3A_208 = arith.index_cast %mul3A_83 : i32 to index
        %swap3A_209 = tpu.vector_load %arg7[%swap3A_207, %swap3A_208] {strides = array<i32>} : memref<2x2560xf32, #tpu.memory_space<vmem>>, vector<16xf32>,
        tpu.vector_store %arg7[%swap3A_207, %swap3A_208], %add3A_206 {strides = array<i32>} : memref<2x2560xf32, #tpu.memory_space<vmem>>, vector<16xf32>,
        %add3A_210 = arith.addf %add3A_179, %add3A_187 : vector<16xf32>
        %add3A_211 = arith.addf %add3A_195, %add3A_203 : vector<16xf32>
        %add3A_212 = arith.addf %add3A_210, %add3A_211 : vector<16xf32>
        %swap3A_213 = arith.constant 1 : i32
        %swap3A_214 = arith.index_cast %swap3A_213 : i32 to index
        %swap3A_215 = arith.index_cast %mul3A_83 : i32 to index
        %swap3A_216 = tpu.vector_load %arg7[%swap3A_214, %swap3A_215] {strides = array<i32>} : memref<2x2560xf32, #tpu.memory_space<vmem>>, vector<16xf32>,
        tpu.vector_store %arg7[%swap3A_214, %swap3A_215], %add3A_212 {strides = array<i32>} : memref<2x2560xf32, #tpu.memory_space<vmem>>, vector<16xf32>,
      }
      %scan3A_80 = arith.constant 32 : i32
      "tpu.region"() ({
        %run_scoped3A = tpu.sem_alloc : memref<!tpu.dma_semaphore, #tpu.memory_space<semaphore_mem>>
        %dma_start3A = arith.constant 0 : i32
        %dma_start3A_81 = arith.constant 0 : i32
        %dma_start3A_82 = tpu.memref_slice %arg7[%dma_start3A, %dma_start3A_81] : memref<2x2560xf32, #tpu.memory_space<vmem>> -> memref<2x512xf32, #tpu.memory_space<vmem>>
        %dma_start3A_83 = arith.constant 0 : i32
        %dma_start3A_84 = arith.constant 81920 : i32
        %dma_start3A_85 = tpu.memref_slice %arg4[%dma_start3A_83, %dma_start3A_84] : memref<2x82432xf32, #tpu.memory_space<hbm>> -> memref<2x512xf32, #tpu.memory_space<hbm>>
        %dma_start3A_86 = arith.constant 0 : i32
        %dma_start3A_87 = arith.constant 81920 : i32
        %dma_start3A_88 = tpu.memref_slice %arg4[%dma_start3A_86, %dma_start3A_87] : memref<2x82432xf32, #tpu.memory_space<hbm>> -> memref<2x512xf32, #tpu.memory_space<hbm>>
        %dma_start3A_89 = arith.constant 0 : i32
        %dma_start3A_90 = arith.constant 0 : i32
        %dma_start3A_91 = tpu.memref_slice %arg7[%dma_start3A_89, %dma_start3A_90] : memref<2x2560xf32, #tpu.memory_space<vmem>> -> memref<2x512xf32, #tpu.memory_space<vmem>>
        tpu.enqueue_dma source(%dma_start3A_91 : memref<2x512xf32, #tpu.memory_space<vmem>>) target(%dma_start3A_88 : memref<2x512xf32, #tpu.memory_space<hbm>>) target_semaphore(%run_scoped3A : memref<!tpu.dma_semaphore, #tpu.memory_space<semaphore_mem>>)
        %dma_wait3A = arith.constant 0 : i32
        %dma_wait3A_92 = arith.constant 0 : i32
        %dma_wait3A_93 = tpu.memref_slice %arg7[%dma_wait3A, %dma_wait3A_92] : memref<2x2560xf32, #tpu.memory_space<vmem>> -> memref<2x512xf32, #tpu.memory_space<vmem>>
        %dma_wait3A_94 = arith.constant 0 : i32
        %dma_wait3A_95 = arith.constant 81920 : i32
        %dma_wait3A_96 = tpu.memref_slice %arg4[%dma_wait3A_94, %dma_wait3A_95] : memref<2x82432xf32, #tpu.memory_space<hbm>> -> memref<2x512xf32, #tpu.memory_space<hbm>>
        %dma_wait3A_97 = arith.constant 0 : i32
        %dma_wait3A_98 = arith.constant 81920 : i32
        %dma_wait3A_99 = tpu.memref_slice %arg4[%dma_wait3A_97, %dma_wait3A_98] : memref<2x82432xf32, #tpu.memory_space<hbm>> -> memref<2x512xf32, #tpu.memory_space<hbm>>
        %dma_wait3A_100 = arith.constant 0 : i32
        %dma_wait3A_101 = arith.constant 0 : i32
        %dma_wait3A_102 = tpu.memref_slice %arg7[%dma_wait3A_100, %dma_wait3A_101] : memref<2x2560xf32, #tpu.memory_space<vmem>> -> memref<2x512xf32, #tpu.memory_space<vmem>>
        tpu.wait_dma2 semaphore(%run_scoped3A : memref<!tpu.dma_semaphore, #tpu.memory_space<semaphore_mem>>) src(%dma_wait3A_102 : memref<2x512xf32, #tpu.memory_space<vmem>>) dst(%dma_wait3A_99 : memref<2x512xf32, #tpu.memory_space<hbm>>)
        tpu.yield
      }) : () -> ()
    } else {
    }
    return
  }
}

module attributes {stable_mosaic.version = 14 : i64} {
  func.func @_tc_body(%arg0: i32, %arg1: memref<2x16xf32, #tpu.memory_space<vmem>>, %arg2: memref<16x114688xf32, #tpu.memory_space<vmem>>, %arg3: memref<2x114688xf32, #tpu.memory_space<vmem>>) attributes {dimension_semantics = [#tpu.dimension_semantics<arbitrary>], iteration_bounds = array<i64: 8>, scalar_prefetch = 0 : i64, scratch_operands = 0 : i64, tpu.core_type = #tpu.core_type<tc>, window_params = [{pipeline_mode = #tpu.pipeline_mode<synchronous>, transform_indices = @transform_0, window_bounds = array<i64: 2, 16>}, {transform_indices = @transform_1, window_bounds = array<i64: 16, 114688>}, {transform_indices = @transform_2, window_bounds = array<i64: 2, 114688>}]} {
    %get3A = arith.constant 0 : index
    %get3A_0 = arith.constant 0 : index
    %get3A_1 = vector.load %arg1[%get3A, %get3A_0] : memref<2x16xf32, #tpu.memory_space<vmem>>, vector<2x16xf32>
    %get3A_2 = arith.constant 0 : index
    %get3A_3 = arith.constant 0 : index
    %get3A_4 = vector.load %arg2[%get3A_2, %get3A_3] : memref<16x114688xf32, #tpu.memory_space<vmem>>, vector<16x114688xf32>
    %dot_general3A = arith.constant dense<0.000000e+00> : vector<2x114688xf32>
    %dot_general3A_5 = tpu.matmul %get3A_1, %get3A_4, %dot_general3A {dimension_numbers = #tpu.dot_dimension_numbers<[1], [0], [0], [1], [0, 0, 1, 1], [], []>, transpose_lhs_hint = false} : vector<2x16xf32>, vector<16x114688xf32>, vector<2x114688xf32> -> vector<2x114688xf32>
    %swap3A = arith.constant 0 : index
    %swap3A_6 = arith.constant 0 : index
    %swap3A_7 = vector.load %arg3[%swap3A, %swap3A_6] : memref<2x114688xf32, #tpu.memory_space<vmem>>, vector<2x114688xf32>
    tpu.vector_store %arg3[%swap3A, %swap3A_6], %dot_general3A_5 {strides = array<i32>} : memref<2x114688xf32, #tpu.memory_space<vmem>>, vector<2x114688xf32>,
    return
  }
  func.func @transform_0(%arg0: i32) -> (i32, i32) {
    %c0_i32 = arith.constant 0 : i32
    %c0_i32_0 = arith.constant 0 : i32
    %c0_i32_1 = arith.constant 0 : i32
    return %c0_i32, %c0_i32_0 : i32, i32
  }
  func.func @transform_1(%arg0: i32) -> (i32, i32) {
    %c0_i32 = arith.constant 0 : i32
    %c0_i32_0 = arith.constant 0 : i32
    return %c0_i32, %arg0 : i32, i32
  }
  func.func @transform_2(%arg0: i32) -> (i32, i32) {
    %c0_i32 = arith.constant 0 : i32
    %c0_i32_0 = arith.constant 0 : i32
    return %c0_i32, %arg0 : i32, i32
  }
}

module attributes {stable_mosaic.version = 14 : i64} {
  func.func @_merge_body(%arg0: i32, %arg1: memref<2x1000000xf32, #tpu.memory_space<hbm>>, %arg2: memref<2x82432xf32, #tpu.memory_space<vmem>>, %arg3: memref<2x64xf32, #tpu.memory_space<vmem>>, %arg4: memref<2x131072xf32, #tpu.memory_space<vmem>>) attributes {dimension_semantics = [#tpu.dimension_semantics<arbitrary>], iteration_bounds = array<i64: 1>, scalar_prefetch = 0 : i64, scratch_operands = 0 : i64, tpu.core_type = #tpu.core_type<tc>, window_params = [{}, {pipeline_mode = #tpu.pipeline_mode<synchronous>, transform_indices = @transform_1, window_bounds = array<i64: 2, 82432>}, {pipeline_mode = #tpu.pipeline_mode<synchronous>, transform_indices = @transform_2, window_bounds = array<i64: 2, 64>}, {transform_indices = @transform_3, window_bounds = array<i64: 2, 131072>}]} {
    %get3A = arith.constant 0 : index
    %get3A_0 = arith.constant 0 : index
    %get3A_1 = vector.load %arg2[%get3A, %get3A_0] : memref<2x82432xf32, #tpu.memory_space<vmem>>, vector<2x82432xf32>
    %swap3A = arith.constant 0 : index
    %swap3A_2 = arith.constant 0 : index
    %swap3A_3 = vector.load %arg4[%swap3A, %swap3A_2] : memref<2x131072xf32, #tpu.memory_space<vmem>>, vector<2x82432xf32>
    tpu.vector_store %arg4[%swap3A, %swap3A_2], %get3A_1 {strides = array<i32>} : memref<2x131072xf32, #tpu.memory_space<vmem>>, vector<2x82432xf32>,
    %get3A_4 = arith.constant 0 : index
    %get3A_5 = arith.constant 0 : index
    %get3A_6 = vector.load %arg3[%get3A_4, %get3A_5] : memref<2x64xf32, #tpu.memory_space<vmem>>, vector<2x64xf32>
    %swap3A_7 = arith.constant 0 : index
    %swap3A_8 = arith.constant 82432 : index
    %swap3A_9 = vector.load %arg4[%swap3A_7, %swap3A_8] : memref<2x131072xf32, #tpu.memory_space<vmem>>, vector<2x64xf32>
    tpu.vector_store %arg4[%swap3A_7, %swap3A_8], %get3A_6 {strides = array<i32>} : memref<2x131072xf32, #tpu.memory_space<vmem>>, vector<2x64xf32>,
    return
  }
  func.func @transform_1(%arg0: i32) -> (i32, i32) {
    %c0_i32 = arith.constant 0 : i32
    %c0_i32_0 = arith.constant 0 : i32
    %c0_i32_1 = arith.constant 0 : i32
    return %c0_i32, %c0_i32_0 : i32, i32
  }
  func.func @transform_2(%arg0: i32) -> (i32, i32) {
    %c0_i32 = arith.constant 0 : i32
    %c0_i32_0 = arith.constant 0 : i32
    %c0_i32_1 = arith.constant 0 : i32
    return %c0_i32, %c0_i32_0 : i32, i32
  }
  func.func @transform_3(%arg0: i32) -> (i32, i32) {
    %c0_i32 = arith.constant 0 : i32
    %c7_i32 = arith.constant 7 : i32
    %c0_i32_0 = arith.constant 0 : i32
    return %c0_i32, %c7_i32 : i32, i32
  }
}

</mosaic_0001>

<sc_bundles>
// kernel: kernel.5.cloned.1.call-start
scs
__scs_entry_jumppad:
0x0: {  	(pc) =	sbr.rel $0x88, $3  }
0x1: {  	(tag) =	ssettag $0x0;
	lr =	simm.s32 $0x1  }
0x2: {  	[smem:$0x3F9F] =	sst lr;
	_ =	strace $0xD0000000  }
0x3: {  	_ = 	snop  }
0x4: {  	_ = 	snop  }
0x5: {  	_ = 	snop  }
0x6: {  	_ = 	snop  }
0x7: {  	_ = 	snop  }
__scs_overlays_trampoline_lowered:
0x8: {  	[smem:$0x3FAE] =	sst s0  }
0x9: {  	[smem:$0x3FAF] =	sst s1  }
0xa: {  	[smem:$0x3FB0] =	sst s2  }
0xb: {  	[smem:$0x3FB1] =	sst s3  }
0xc: {  	[smem:$0x3FB2] =	sst s4  }
0xd: {  	[smem:$0x3FB3] =	sst s5  }
0xe: {  	[smem:$0x3FB4] =	sst s6  }
0xf: {  	[smem:$0x3FB5] =	sst s7  }
0x10: {  	[smem:$0x3FB6] =	sst s8  }
0x11: {  	[smem:$0x3FB7] =	sst s9;
	s0 =	simm.s32 @!p0 $0x0  }
0x12: {  	s1 =	sld [smem:$0x3F9D];
	s0 =	simm.s32 @p0 $0x1  }
0x13: {  	[smem:$0x3FB8] =	sst s0;
	s0 =	simm.s32 @!p1 $0x0  }
0x14: {  	s2 =	sld [smem:$0x3F9C];
	s0 =	simm.s32 @p1 $0x1  }
0x15: {  	[smem:$0x3FB9] =	sst s0;
	s0 =	simm.s32 @!p2 $0x0  }
0x16: {  	s3 =	sld [smem:$0x3FDB];
	s0 =	simm.s32 @p2 $0x1  }
0x17: {  	s4 =	simm.s32 $0x1BF5;
	[smem:$0x3FBB] =	sst s0  }
0x18: {  	s0 =	sld [smem:$0x3F9E];
	_ =	swait.ge [sflag:s4], $0x0  }
0x19: {  	s7 =	sld [smem:$0x3F9F]  }
0x1a: {  	s8 =	sadd.s32 $0xFFFFE003, lr  }
0x1b: {  	s9 =	sadd.s32 $0xFFFFFEF7, lr;
	s5 =	simm.s32 $0xFFFFFFFF;
	p2 =	slt.u32 s8, $0xFFFFF086  }
0x1c: {  	p1 =	slt.u32 s9, $0xF7A;
	s5 =	simm.s32 @!p2 $0x0  }
0x1d: {  	s5 =	simm.s32 @p1 $0x1;
	p0 =	seq.s32 s7, s2  }
0x1e: {  	s7 =	smul.u32 @!p0 $0xF7A, s2;
	p2 =	seq.s32 @!p0 s5, $0x0  }
0x1f: {  	s9 =	smul.u32 $0xF7A, s1;
	s8 =	simm.s32 @!p0 $0x1BF5;
	p2 =	por !p2, p0  }
0x20: {  	[sflag:s8] =	ssyncset.s32 @!p0 $0xFFFFF086;
	s6 =	sadd.s32 @!p0 s3, s7;
	s7 =	simm.s32 @!p0 $0x108  }
0x21: {  	s3 =	sadd.s32 s3, s9;
	s6 =	sadd.s32 @!p0 $0x88, s6;
	s7 =	simm.s32 @p2 $0x1082  }
0x22: {  	[simem:s7], [sflag:s8] =	dma.local @!p0 [hbm:s6], $0xF7A  }
0x23: {  	s9 =	sor.u32 $0xD0000000, s2;
	s6 =	simm.s32 $0x108;
	_ =	swait.ge @!p0 [sflag:s8], $0x0  }
0x24: {  	s3 =	sadd.s32 $0x88, s3;
	s6 =	simm.s32 @!p1 $0x1082;
	[sflag:s4] =	ssyncset.s32 $0xFFFFF086  }
0x25: {  	[simem:s6], [sflag:s4] =	dma.local [hbm:s3], $0xF7A  }
0x26: {  	[smem:$0x3F9F] =	sst s1;
	(tag) =	ssettag s2;
	_ =	strace s9  }
0x27: {  	s1 =	sld [smem:$0x3FAF]  }
0x28: {  	s2 =	sld [smem:$0x3FB0]  }
0x29: {  	s4 =	sld [smem:$0x3FB2]  }
0x2a: {  	p0 =	seq.s32 s5, $0x0;
	s5 =	sld [smem:$0x3FB3]  }
0x2b: {  	s6 =	sld [smem:$0x3FB4]  }
0x2c: {  	s7 =	sld [smem:$0x3FB5]  }
0x2d: {  	s3 =	simm.s32 $0x108;
	s8 =	sld [smem:$0x3FB6]  }
0x2e: {  	s3 =	simm.s32 @!p0 $0x1082;
	s9 =	sld [smem:$0x3FB7]  }
0x2f: {  	lr =	sadd.s32 s0, s3;
	s0 =	sld [smem:$0x3FAE]  }
0x30: {  	s3 =	sld [smem:$0x3FB1]  }
0x31: {  	[smem:$0x3FBA] =	sst s10  }
0x32: {  	s10 =	sld [smem:$0x3FB8];
	_ =	sdelay $0x3  }
0x33: {  	p0 =	seq.s32 s10, $0x1;
	s10 =	sld [smem:$0x3FBA];
	_ =	sdelay $0x3  }
0x34: {  	[smem:$0x3FBA] =	sst s10  }
0x35: {  	s10 =	sld [smem:$0x3FB9];
	_ =	sdelay $0x3  }
0x36: {  	p1 =	seq.s32 s10, $0x1;
	s10 =	sld [smem:$0x3FBA];
	_ =	sdelay $0x3  }
0x37: {  	[smem:$0x3FBA] =	sst s10  }
0x38: {  	s10 =	sld [smem:$0x3FBB]  }
0x39: {  	_ = 	snop;
	(pc) =	sbr.ind lr, $3  }
0x3a: {  	_ = 	snop  }
0x3b: {  	_ = 	snop  }
0x3c: {  	p2 =	seq.s32 s10, $0x1;
	s10 =	sld [smem:$0x3FBA]  }
0x3d: {  	_ =	shalt  }
0x3e: {  	_ =	shalt  }
0x3f: {  	_ =	shalt  }
0x40: {  	_ =	shalt  }
0x41: {  	_ =	shalt  }
0x42: {  	_ =	shalt  }
0x43: {  	_ =	shalt  }
0x44: {  	_ =	shalt  }
0x45: {  	_ =	shalt  }
0x46: {  	_ =	shalt  }
0x47: {  	_ =	shalt  }
0x48: {  	_ =	shalt  }
0x49: {  	_ =	shalt  }
0x4a: {  	_ =	shalt  }
0x4b: {  	_ =	shalt  }
0x4c: {  	_ =	shalt  }
0x4d: {  	_ =	shalt  }
0x4e: {  	_ =	shalt  }
0x4f: {  	_ =	shalt  }
0x50: {  	_ =	shalt  }
0x51: {  	_ =	shalt  }
0x52: {  	_ =	shalt  }
0x53: {  	_ =	shalt  }
0x54: {  	_ =	shalt  }
0x55: {  	_ =	shalt  }
0x56: {  	_ =	shalt  }
0x57: {  	_ =	shalt  }
0x58: {  	_ =	shalt  }
0x59: {  	_ =	shalt  }
0x5a: {  	_ =	shalt  }
0x5b: {  	_ =	shalt  }
0x5c: {  	_ =	shalt  }
0x5d: {  	_ =	shalt  }
0x5e: {  	_ =	shalt  }
0x5f: {  	_ =	shalt  }
0x60: {  	_ =	shalt  }
0x61: {  	_ =	shalt  }
0x62: {  	_ =	shalt  }
0x63: {  	_ =	shalt  }
0x64: {  	_ =	shalt  }
0x65: {  	_ =	shalt  }
0x66: {  	_ =	shalt  }
0x67: {  	_ =	shalt  }
0x68: {  	_ =	shalt  }
0x69: {  	_ =	shalt  }
0x6a: {  	_ =	shalt  }
0x6b: {  	_ =	shalt  }
0x6c: {  	_ =	shalt  }
0x6d: {  	_ =	shalt  }
0x6e: {  	_ =	shalt  }
0x6f: {  	_ =	shalt  }
0x70: {  	_ =	shalt  }
0x71: {  	_ =	shalt  }
0x72: {  	_ =	shalt  }
0x73: {  	_ =	shalt  }
0x74: {  	_ =	shalt  }
0x75: {  	_ =	shalt  }
0x76: {  	_ =	shalt  }
0x77: {  	_ =	shalt  }
0x78: {  	_ =	shalt  }
0x79: {  	_ =	shalt  }
0x7a: {  	_ =	shalt  }
0x7b: {  	_ =	shalt  }
0x7c: {  	_ =	shalt  }
0x7d: {  	_ =	shalt  }
0x7e: {  	_ =	shalt  }
0x7f: {  	_ =	shalt  }
0x80: {  	_ =	shalt  }
0x81: {  	_ =	shalt  }
0x82: {  	_ =	shalt  }
0x83: {  	_ =	shalt  }
0x84: {  	_ =	shalt  }
0x85: {  	_ =	shalt  }
0x86: {  	_ =	shalt  }
0x87: {  	_ =	shalt  }
.Lfunc_end0:
.L_simem_size_0:
called_computation_lowered:
.L_overlay_start_0:
0x88: {  	s2 =	sld [smem:$0x3FD9]  }
0x89: {  	s3 =	sld [smem:$0x3FFE];
	_ =	sdelay $0x1  }
0x8a: {  	s1 =	srdreg.scid  }
0x8b: {  	s0 =	sand.u32 $0x1, s1  }
0x8c: {  	s17 =	sshll.u32 s0, $0xA;
	s2 =	sadd.s32 s3, s2  }
0x8d: {  	s2 =	sadd.s32 s2, s17  }
0x8e: {  	[smem:$0x3FC6] =	sst s2  }
0x8f: {  	_ = 	snop  }
0x90: {  	s2 =	sld [smem:$0x3FC9];
	(tm) =	ssettm $0x1  }
0x91: {  	s18 =	sld [smem:$0x3FFB];
	_ =	sdelay $0x3  }
0x92: {  	_ =	strace s18  }
0x93: {  	s3 =	sld [smem:$0x3FFC];
	_ =	sdelay $0x3  }
0x94: {  	_ =	strace s3  }
0x95: {  	s3 =	sld [smem:$0x3FFD];
	_ =	sdelay $0x3  }
0x96: {  	_ =	strace s3  }
0x97: {  	_ =	strace $0x8FFFFFFF  }
0x98: {  	s19 =	sld [smem:$0x3FDB];
	_ =	sdelay $0x1  }
0x99: {  	s4 =	simm.s32 $_scs_section_size  }
0x9a: {  	s5 =	simm.s32 $_size__tile_overlayer_lowered;
	s6 =	simm.s32 $_tile_overlayer_lowered  }
0x9b: {  	s22 =	simm.s32 $0x1BFF;
	s21 =	sshll.u32 s6, $0x1;
	s3 =	sadd.s32 s4, s19  }
0x9c: {  	s7 =	simm.s32 $0x0;
	s20 =	sshll.u32 s5, $0x1;
	s5 =	sadd.s32 s21, s3  }
0x9d: {  	[timem:s7], [sflag:s22] =	dma.local [hbm:s5], s20  }
0x9e: {  	_ =	swait.ge [sflag:s22], s20  }
0x9f: {  	s4 =	ssub.s32 $0x0, s20;
	[sflag:s22] =	ssyncset.done $0x0  }
0xa0: {  	[sflag:s22] =	ssyncadd.s32 s4;
	_ =	sdelay $0x1  }
0xa1: {  	s23 =	simm.s32 $0x1B8B  }
0xa2: {  	_ =	swait.ge [sflag:s23], $0x1  }
0xa3: {  	[sflag:s23] =	ssyncset.done $0x0  }
0xa4: {  	s25 =	simm.s32 $0x1B8E;
	s24 =	sld [smem:$0x3FFE];
	[sflag:s23] =	ssyncadd.s32 $0xFFFFFFFF  }
0xa5: {  	s26 =	simm.s32 $execute0_lowered;
	[smem:$0x3FD2] =	sst s25  }
0xa6: {  	s5 =	sshll.u32 s26, $0x1;
	_ =	strace $0x80000046;
	[dreg:$0x1] =	wrdreg $0xFFFFFFFF  }
0xa7: {  	s28 =	simm.s32 $_size_execute0_lowered;
	s3 =	sadd.s32 s3, s5;
	[dreg:$0x0] =	wrdreg $0x0  }
0xa8: {  	s5 =	sshll.u32 s28, $0x1;
	[dreg:$0x2] =	wrdreg s3  }
0xa9: {  	[dreg:$0x3] =	wrdreg s5  }
0xaa: {  	[dreg:$0x4] =	wrdreg $0xC0  }
0xab: {  	_ =	task [dreg:s7], $0x5FFFF  }
0xac: {  	[dreg:$0x1] =	wrdreg $0xFFFFFFFF  }
0xad: {  	[dreg:$0x0] =	wrdreg $0x60  }
0xae: {  	[dreg:$0x2] =	wrdreg s2  }
0xaf: {  	[dreg:$0x3] =	wrdreg s24  }
0xb0: {  	[dreg:$0x4] =	wrdreg $0x9  }
0xb1: {  	_ =	task.clear_ibuf [dreg:s7], $0x5FFFF;
	_ =	strace $0x90000046  }
0xb2: {  	s29 =	simm.s32 $0x9;
	_ =	strace $0x80000048  }
0xb3: {  	_ =	swait.ge [sflag:s29], $0x1  }
0xb4: {  	[sflag:s29] =	ssyncadd.s32 $0xFFFFFFFF  }
0xb5: {  	_ =	strace $0x90000048  }
0xb6: {  	_ =	sfence  }
0xb7: {  	s30 =	sld [smem:$0x0];
	_ =	sdelay $0x2  }
0xb8: {  	s31 =	sshll.u32 s1, $0xD;
	s1 =	sshrl.u32 s1, $0x2  }
0xb9: {  	s3 =	sand.u32 $0x4000, s31;
	s1 =	sadd.s32 s1, s30  }
0xba: {  	s0 =	sor.u32 s3, s0;
	s1 =	sshll.u32 s1, $0x11  }
0xbb: {  	s0 =	sor.u32 s1, s0  }
0xbc: {  	s0 =	sadd.s32 $0x8F2B, s0  }
0xbd: {  	[sflag:s0] =	ssyncadd.remote.s32 $0x1  }
0xbe: {  	_ =	sfence.sel $0xFFFF  }
0xbf: {  	[dreg:$0x0] =	wrdreg $0xFFFFFFFF;
	(pc) =	sbr.abs _section_cstart, $3  }
0xc0: {  	[dreg:$0x1] =	wrdreg $0xFFFFFFFF  }
0xc1: {  	_ =	task.clear_ibuf [dreg:s7], $0x2FFFF;
	_ =	strace $0x9FFFFFFF  }
0xc2: {  	(tm) =	ssettm $0x7FFFFFFF  }
0xc3: {  	_ =	shalt  }
tec
execute0_lowered:
.L_overlay_start_1:
0x0: {  	(tag) =	ssettag $0x1  }
0x1: {  	s1 =	srdreg.scid;
	s6 =	rddreg [dreg:$0x0]  }
0x2: {  	s0 =	stileid.u32;
	s7 =	rddreg [dreg:$0x1]  }
0x3: {  	s2 =	simm.s32 $0x0;
	s10 =	simm.s32 $0x5000;
	s11 =	simm.s32 $0x7A1400  }
0x4: {  	s12 =	simm.s32 $0x200;
	s4 =	sand.u32 $0x1, s1;
	s31 =	sshll.u32 s0, $0x1  }
0x5: {  	s15 =	simm.s32 $0x5200;
	s1 =	rddreg [dreg:$0x2];
	s13 =	sor.u32 s4, s31  }
0x6: {  	s16 =	simm.s32 $0x0;
	[smem:$0x7FF] =	sst s2;
	s5 =	smul.u32 $0x280, s13  }
0x7: {  	s3 =	sadd.s32 $0x800, s7;
	s4 =	ssub.s32 $0x2, s4;
	s8 =	smul.u32 $0xA00, s13  }
.Ltmp0:
0x8: {  	_ =	strace $0x80000047;
	s9 =	sshrl.u32 s4, $0x1;
	(pc) =	sbr.rel .LBB2_1-.Ltmp0, $4  }
0x9: {  	p0 =	sne.s32 s13, $0x1F;
	s13 =	simm.s32 $0xA200;
	s9 =	ssub.s32 s4, s9  }
0xa: {  	s5 =	sadd.s32 s5, s7;
	s8 =	sadd.s32 s8, s6;
	s6 =	sadd.s32 $0xF4000, s6  }
0xb: {  	s7 =	sadd.s32 $0x5A00, s7;
	s4 =	sadd.s32 $0xE0000, s8;
	s5 =	sadd.s32 $0xA00, s5  }
0xc: {  	s8 =	smax.u32 s9, $0x1;
	s9 =	simm.s32 $0x1;
	s14 =	sadd.s32 $0xF4280, s6  }
.LBB2_6:
0xd: {  	v8 =	vmul.f32 v45, v28  }
0xe: {  	v9 =	vmul.f32 v44, v30;
	v11 =	vadd.f32 v51, v50;
	v12 =	vmul.f32 v44, v15  }
0xf: {  	v13 =	vadd.f32 v49, v46;
	v7 =	vmul.f32 v36, v7;
	v16 =	vmul.f32 v38, v22  }
0x10: {  	v54 =	vld [tilespmem:s21+$0x5500];
	v17 =	vadd.f32 v35, v41;
	v20 =	vadd.f32 v33, v47;
	v4 =	vmul.f32 v32, v4  }
0x11: {  	v18 =	vld [tilespmem:s21+$0x5480];
	v5 =	vmul.f32 v38, v5;
	v55 =	vadd.f32 v34, v43;
	v8 =	vadd.f32 v8, v48  }
0x12: {  	v10 =	vmul.f32 v39, v10;
	v7 =	vadd.f32 v7, v42;
	v12 =	vadd.f32 v12, v17  }
0x13: {  	v19 =	vmul.f32 v37, v23;
	v4 =	vadd.f32 v4, v40;
	v5 =	vadd.f32 v5, v11  }
0x14: {  	v2 =	vmul.f32 v39, v2;
	v57 =	vadd.f32 v10, v55;
	v58 =	vadd.f32 v9, v20  }
0x15: {  	v3 =	vmul.f32 v37, v3;
	v59 =	vadd.f32 v19, v13;
	v8 =	vadd.f32 v16, v8  }
0x16: {  	v2 =	vadd.f32 v2, v7;
	v1 =	vmul.f32 v18, v1;
	v0 =	vmul.f32 v54, v0  }
0x17: {  	v3 =	vadd.f32 v3, v4;
	v56 =	vmul.f32 v54, v14;
	v6 =	vmul.f32 v18, v6  }
0x18: {  	v1 =	vadd.f32 v1, v2;
	v0 =	vadd.f32 v0, v12  }
0x19: {  	v60 =	vadd.f32 v6, v57;
	v61 =	vadd.f32 v56, v58  }
0x1a: {  	v1 =	vadd.f32 v1, v5;
	v0 =	vadd.f32 v3, v0  }
0x1b: {  	s18 =	sshll.u32 s19, $0x5;
	v2 =	vadd.f32 v60, v8;
	v62 =	vadd.f32 v59, v61  }
0x1c: {  	s18 =	sand.u32 $0x3FFFFF00, s18;
	v0 =	vadd.f32 v0, v1  }
0x1d: {  	s17 =	sor.u32 s17, s18;
	v63 =	vadd.f32 v62, v2  }
0x1e: {  	[tilespmem:s17+$0xA200] =	vst v0  }
0x1f: {  	[tilespmem:s17+$0xA280] =	vst v63  }
0x20: {  	[hbm4b:s7+s2] =	stream.linear.scatter [tilespmem:s13], [sflag:$0x1], $0x400, $0x38;
	[tilespmem:$0xB600] =	vst v63  }
0x21: {  	_ =	swait.ge [sflag:s9], $0x400  }
0x22: {  	[sflag:s9] =	ssyncset.done $0x0  }
0x23: {  	[sflag:s9] =	ssyncadd.s32 $0xFFFFFC00  }
.LBB2_7:
0x24: {  	s16 =	sadd.s32 $0x1, s16  }
0x25: {  	p1 =	sne.s32 s16, s8  }
.Ltmp1:
0x26: {  	_ = 	snop;
	(pc) =	sbr.rel @!p1 .LBB2_8-.Ltmp1, $1  }
0x27: {  	_ =	sdelay $0x3  }
.LBB2_1:
0x28: {  	[tilespmem:s2], [sflag:$0x1] =	stream.linear.gather [hbm4b:s3+s2], $0x200, $0x38;
	[tilespmem:$0xB600] =	vst v63  }
0x29: {  	_ =	swait.ge [sflag:s9], $0x200  }
0x2a: {  	[sflag:s9] =	ssyncset.done $0x0  }
0x2b: {  	[sflag:s9] =	ssyncadd.s32 $0xFFFFFE00  }
0x2c: {  	v8 =	vld [tilespmem:$0x0]  }
0x2d: {  	v9 =	vld [tilespmem:$0x10]  }
0x2e: {  	v11 =	vld [tilespmem:$0x20]  }
0x2f: {  	v12 =	vld [tilespmem:$0x30]  }
0x30: {  	v13 =	vld [tilespmem:$0x40]  }
0x31: {  	v7 =	vld [tilespmem:$0x50]  }
0x32: {  	v16 =	vld [tilespmem:$0x60]  }
0x33: {  	v17 =	vld [tilespmem:$0x70]  }
0x34: {  	v18 =	vld [tilespmem:$0x80]  }
0x35: {  	v2 =	vld [tilespmem:$0x90]  }
0x36: {  	v15 =	vld [tilespmem:$0xA0]  }
0x37: {  	v4 =	vld [tilespmem:$0xB0]  }
0x38: {  	v5 =	vld [tilespmem:$0xC0]  }
0x39: {  	v1 =	vld [tilespmem:$0xD0]  }
0x3a: {  	v0 =	vld [tilespmem:$0xE0]  }
0x3b: {  	v3 =	vld [tilespmem:$0xF0]  }
0x3c: {  	v19 =	vld [tilespmem:$0x100]  }
0x3d: {  	v20 =	vld [tilespmem:$0x110]  }
0x3e: {  	v21 =	vld [tilespmem:$0x120]  }
0x3f: {  	v24 =	vld [tilespmem:$0x130]  }
0x40: {  	v25 =	vld [tilespmem:$0x140]  }
0x41: {  	v26 =	vld [tilespmem:$0x150]  }
0x42: {  	v27 =	vld [tilespmem:$0x160]  }
0x43: {  	v29 =	vld [tilespmem:$0x170]  }
0x44: {  	v28 =	vld [tilespmem:$0x180]  }
0x45: {  	v10 =	vld [tilespmem:$0x190]  }
0x46: {  	v30 =	vld [tilespmem:$0x1A0]  }
0x47: {  	v31 =	vld [tilespmem:$0x1B0]  }
0x48: {  	v22 =	vld [tilespmem:$0x1C0]  }
0x49: {  	v6 =	vld [tilespmem:$0x1D0]  }
0x4a: {  	v14 =	vld [tilespmem:$0x1E0]  }
0x4b: {  	v23 =	vld [tilespmem:$0x1F0];
	[tilespmem:s12], [sflag:$0x1] =	stream.strided.gather [hbm4b:s4+s10], $0xA000, s11, s10, $0x38  }
0x4c: {  	s18 =	simm.s32 $0x0;
	_ =	swait.ge [sflag:s9], $0xA000  }
0x4d: {  	s17 =	sand.u32 $0x70, s2;
	s18 =	sand.u32 $0x3FFFFC00, s18;
	[sflag:s9] =	ssyncset.done $0x0  }
0x4e: {  	s21 =	sor.u32 s17, s18;
	[sflag:s9] =	ssyncadd.s32 $0xFFFF6000  }
0x4f: {  	v37 =	vld [tilespmem:s21+$0x200]  }
0x50: {  	v34 =	vld [tilespmem:s21+$0x580]  }
0x51: {  	v32 =	vld [tilespmem:s21+$0x500]  }
0x52: {  	v38 =	vld [tilespmem:s21+$0x400]  }
0x53: {  	v39 =	vld [tilespmem:s21+$0x380]  }
0x54: {  	v36 =	vld [tilespmem:s21+$0x480]  }
0x55: {  	v40 =	vld [tilespmem:s21+$0x300]  }
0x56: {  	v43 =	vmul.f32 v34, v17;
	v35 =	vmul.f32 v32, v16  }
0x57: {  	v50 =	vld [tilespmem:s21+$0x280];
	v33 =	vmul.f32 v32, v27;
	v51 =	vmul.f32 v38, v13  }
0x58: {  	v45 =	vld [tilespmem:s21+$0x5200];
	v42 =	vmul.f32 v34, v29;
	v46 =	vmul.f32 v39, v24  }
0x59: {  	v32 =	vld [tilespmem:s21+$0x5380];
	v47 =	vmul.f32 v38, v25;
	v48 =	vmul.f32 v37, v19  }
0x5a: {  	v34 =	vmul.f32 v36, v26;
	v41 =	vmul.f32 v40, v11  }
0x5b: {  	v44 =	vld [tilespmem:s21+$0x5300];
	v39 =	vmul.f32 v39, v12;
	v52 =	vmul.f32 v37, v8  }
0x5c: {  	v38 =	vld [tilespmem:s21+$0x5400];
	v46 =	vadd.f32 v42, v46;
	v48 =	vadd.f32 v47, v48;
	v42 =	vmul.f32 v50, v9  }
0x5d: {  	v37 =	vld [tilespmem:s21+$0x5580];
	v47 =	vmul.f32 v40, v21;
	v40 =	vadd.f32 v43, v39;
	v43 =	vmul.f32 v50, v20  }
0x5e: {  	s19 =	simm.s32 $0x1;
	s20 =	simm.s32 $0x0;
	s18 =	simm.s32 $0x0;
	v39 =	vld [tilespmem:s21+$0x5280];
	v50 =	vadd.f32 v51, v52;
	v51 =	vmul.f32 v45, v18;
	v49 =	vmul.f32 v32, v31  }
.LBB2_2:
0x5f: {  	p1 =	sne.s32 s19, $0x9F  }
0x60: {  	v45 =	vmul.f32 v45, v28;
	v52 =	vmul.f32 v44, v30;
	s20 =	sadd.s32 $0x10, s20;
	s22 =	smov.u32 s19;
	s19 =	sadd.s32 $0x1, s19  }
0x61: {  	v44 =	vmul.f32 v44, v15;
	v46 =	vadd.f32 v49, v46;
	v50 =	vadd.f32 v51, v50  }
0x62: {  	v36 =	vmul.f32 v36, v7;
	v45 =	vadd.f32 v45, v48;
	v48 =	vmul.f32 v38, v22;
	v49 =	vld [tilespmem:s21+$0x5500]  }
0x63: {  	v35 =	vadd.f32 v35, v41;
	v33 =	vadd.f32 v33, v47;
	v47 =	vmul.f32 v37, v23;
	v41 =	vld [tilespmem:s21+$0x5480]  }
0x64: {  	v32 =	vmul.f32 v32, v4;
	v38 =	vmul.f32 v38, v5;
	v45 =	vadd.f32 v48, v45  }
0x65: {  	v36 =	vadd.f32 v36, v42;
	v35 =	vadd.f32 v44, v35;
	v42 =	vmul.f32 v39, v2  }
0x66: {  	v34 =	vadd.f32 v34, v43;
	v32 =	vadd.f32 v32, v40;
	v37 =	vmul.f32 v37, v3  }
0x67: {  	v39 =	vmul.f32 v39, v10;
	v38 =	vadd.f32 v38, v50;
	v40 =	vmul.f32 v49, v14  }
0x68: {  	v32 =	vadd.f32 v37, v32;
	v44 =	vmul.f32 v49, v0;
	v43 =	vmul.f32 v41, v1  }
0x69: {  	v36 =	vadd.f32 v42, v36;
	v34 =	vadd.f32 v39, v34;
	v37 =	vmul.f32 v41, v6  }
0x6a: {  	v33 =	vadd.f32 v52, v33;
	v39 =	vadd.f32 v47, v46  }
0x6b: {  	v35 =	vadd.f32 v44, v35;
	v36 =	vadd.f32 v43, v36  }
0x6c: {  	v33 =	vadd.f32 v40, v33;
	v34 =	vadd.f32 v37, v34  }
0x6d: {  	v32 =	vadd.f32 v32, v35;
	v36 =	vadd.f32 v36, v38  }
0x6e: {  	s18 =	sshll.u32 s18, $0x5;
	s23 =	sand.u32 $0x70, s20;
	s21 =	sshll.u32 s22, $0x7;
	v33 =	vadd.f32 v39, v33;
	v34 =	vadd.f32 v34, v45  }
0x6f: {  	s24 =	sand.u32 $0x3FFFFF00, s18;
	s18 =	smov.u32 s22;
	s21 =	sand.u32 $0x3FFFFC00, s21;
	v32 =	vadd.f32 v32, v36  }
0x70: {  	s22 =	sor.u32 s17, s24;
	s17 =	smov.u32 s23;
	s21 =	sor.u32 s23, s21;
	v33 =	vadd.f32 v33, v34  }
0x71: {  	[tilespmem:s22+$0xA200] =	vst v32  }
0x72: {  	[tilespmem:s22+$0xA280] =	vst v33  }
0x73: {  	v37 =	vld [tilespmem:s21+$0x200]  }
0x74: {  	v34 =	vld [tilespmem:s21+$0x580]  }
0x75: {  	v32 =	vld [tilespmem:s21+$0x500]  }
0x76: {  	v38 =	vld [tilespmem:s21+$0x400]  }
0x77: {  	v39 =	vld [tilespmem:s21+$0x380]  }
0x78: {  	v36 =	vld [tilespmem:s21+$0x480]  }
0x79: {  	v40 =	vld [tilespmem:s21+$0x300];
	v43 =	vmul.f32 v34, v17  }
0x7a: {  	v35 =	vmul.f32 v32, v16;
	v33 =	vmul.f32 v32, v27;
	v32 =	vld [tilespmem:s21+$0x5380]  }
0x7b: {  	v42 =	vmul.f32 v34, v29;
	v50 =	vld [tilespmem:s21+$0x280];
	v51 =	vmul.f32 v38, v13  }
0x7c: {  	v47 =	vmul.f32 v38, v25;
	v46 =	vmul.f32 v39, v24;
	v45 =	vld [tilespmem:s21+$0x5200]  }
.Ltmp2:
0x7d: {  	v48 =	vmul.f32 v37, v19;
	v34 =	vmul.f32 v36, v26;
	v44 =	vld [tilespmem:s21+$0x5300];
	(pc) =	sbr.rel @p1 .LBB2_2-.Ltmp2, $4  }
0x7e: {  	v39 =	vmul.f32 v39, v12;
	v41 =	vmul.f32 v40, v11;
	v46 =	vadd.f32 v42, v46;
	v38 =	vld [tilespmem:s21+$0x5400]  }
0x7f: {  	v52 =	vmul.f32 v37, v8;
	v48 =	vadd.f32 v47, v48;
	v49 =	vmul.f32 v32, v31;
	v37 =	vld [tilespmem:s21+$0x5580]  }
0x80: {  	v47 =	vmul.f32 v40, v21;
	v40 =	vadd.f32 v43, v39;
	v42 =	vmul.f32 v50, v9;
	v39 =	vld [tilespmem:s21+$0x5280]  }
0x81: {  	v43 =	vmul.f32 v50, v20;
	v50 =	vadd.f32 v51, v52;
	v51 =	vmul.f32 v45, v18  }
0x82: {  	v45 =	vmul.f32 v45, v28  }
0x83: {  	v52 =	vmul.f32 v44, v30;
	v60 =	vmul.f32 v44, v15;
	v46 =	vadd.f32 v49, v46  }
0x84: {  	v36 =	vmul.f32 v36, v7;
	v35 =	vadd.f32 v35, v41;
	v33 =	vadd.f32 v33, v47  }
0x85: {  	v61 =	vld [tilespmem:s21+$0x5500];
	v32 =	vmul.f32 v32, v4;
	v50 =	vadd.f32 v51, v50;
	v62 =	vmul.f32 v38, v22  }
0x86: {  	v63 =	vld [tilespmem:s21+$0x5480];
	v55 =	vmul.f32 v38, v5;
	v34 =	vadd.f32 v34, v43;
	v45 =	vadd.f32 v45, v48  }
0x87: {  	v54 =	vmul.f32 v37, v23;
	v36 =	vadd.f32 v36, v42;
	v35 =	vadd.f32 v60, v35  }
0x88: {  	v32 =	vadd.f32 v32, v40;
	v57 =	vmul.f32 v37, v3;
	v33 =	vadd.f32 v52, v33  }
0x89: {  	v56 =	vmul.f32 v39, v2;
	v58 =	vmul.f32 v39, v10;
	v38 =	vadd.f32 v55, v50  }
0x8a: {  	v45 =	vadd.f32 v62, v45;
	v32 =	vadd.f32 v57, v32;
	v59 =	vmul.f32 v61, v14  }
0x8b: {  	v60 =	vmul.f32 v63, v1;
	v61 =	vmul.f32 v61, v0;
	v36 =	vadd.f32 v56, v36  }
0x8c: {  	v34 =	vadd.f32 v58, v34;
	v62 =	vmul.f32 v63, v6;
	v63 =	vadd.f32 v54, v46  }
0x8d: {  	v36 =	vadd.f32 v60, v36;
	v35 =	vadd.f32 v61, v35  }
0x8e: {  	v34 =	vadd.f32 v62, v34;
	v33 =	vadd.f32 v59, v33  }
0x8f: {  	v36 =	vadd.f32 v36, v38;
	v32 =	vadd.f32 v32, v35  }
0x90: {  	s18 =	sshll.u32 s18, $0x5;
	v34 =	vadd.f32 v34, v45;
	v33 =	vadd.f32 v63, v33  }
0x91: {  	s18 =	sand.u32 $0x3FFFFF00, s18;
	v32 =	vadd.f32 v32, v36  }
0x92: {  	s17 =	sor.u32 s17, s18;
	v33 =	vadd.f32 v33, v34  }
0x93: {  	[tilespmem:s17+$0xA200] =	vst v32  }
.Ltmp3:
0x94: {  	[tilespmem:s17+$0xA280] =	vst v33;
	(pc) =	sbr.rel @p0 .LBB2_7-.Ltmp3, $4  }
0x95: {  	[hbm4b:s5+s2] =	stream.linear.scatter [tilespmem:s13], [sflag:$0x1], $0x1400, $0x38;
	[tilespmem:$0xB600] =	vst v63  }
0x96: {  	_ =	swait.ge [sflag:s9], $0x1400  }
0x97: {  	[sflag:s9] =	ssyncset.done $0x0  }
0x98: {  	[sflag:s9] =	ssyncadd.s32 $0xFFFFEC00  }
0x99: {  	s18 =	simm.s32 $0x0  }
0x9a: {  	[tilespmem:s12], [sflag:$0x1] =	stream.linear.gather [hbm4b:s6+s18], $0x1000, $0x38;
	[tilespmem:$0xB600] =	vst v63  }
0x9b: {  	_ = 	snop  }
0x9c: {  	[tilespmem:s15], [sflag:$0x1] =	stream.linear.gather [hbm4b:s14+s18], $0x1000, $0x38;
	[tilespmem:$0xB600] =	vst v63  }
0x9d: {  	s19 =	simm.s32 $0x0;
	_ =	swait.ge [sflag:s9], $0x2000  }
0x9e: {  	s17 =	sand.u32 $0x70, s18;
	s19 =	sand.u32 $0x3FFFFC00, s19;
	[sflag:s9] =	ssyncset.done $0x0  }
0x9f: {  	s21 =	sor.u32 s17, s19;
	[sflag:s9] =	ssyncadd.s32 $0xFFFFE000  }
0xa0: {  	v37 =	vld [tilespmem:s21+$0x200]  }
0xa1: {  	v34 =	vld [tilespmem:s21+$0x580]  }
0xa2: {  	v32 =	vld [tilespmem:s21+$0x500]  }
0xa3: {  	v38 =	vld [tilespmem:s21+$0x400]  }
0xa4: {  	v39 =	vld [tilespmem:s21+$0x380]  }
0xa5: {  	v36 =	vld [tilespmem:s21+$0x480]  }
0xa6: {  	v40 =	vld [tilespmem:s21+$0x300]  }
0xa7: {  	v43 =	vmul.f32 v34, v17;
	v35 =	vmul.f32 v32, v16  }
0xa8: {  	v50 =	vld [tilespmem:s21+$0x280];
	v33 =	vmul.f32 v32, v27;
	v51 =	vmul.f32 v38, v13  }
0xa9: {  	v45 =	vld [tilespmem:s21+$0x5200];
	v42 =	vmul.f32 v34, v29;
	v46 =	vmul.f32 v39, v24  }
0xaa: {  	v32 =	vld [tilespmem:s21+$0x5380];
	v47 =	vmul.f32 v38, v25;
	v48 =	vmul.f32 v37, v19  }
0xab: {  	v34 =	vmul.f32 v36, v26;
	v41 =	vmul.f32 v40, v11  }
0xac: {  	v44 =	vld [tilespmem:s21+$0x5300];
	v39 =	vmul.f32 v39, v12;
	v52 =	vmul.f32 v37, v8  }
0xad: {  	v38 =	vld [tilespmem:s21+$0x5400];
	v46 =	vadd.f32 v42, v46;
	v48 =	vadd.f32 v47, v48;
	v42 =	vmul.f32 v50, v9  }
0xae: {  	v37 =	vld [tilespmem:s21+$0x5580];
	v47 =	vmul.f32 v40, v21;
	v40 =	vadd.f32 v43, v39;
	v43 =	vmul.f32 v50, v20  }
0xaf: {  	s20 =	simm.s32 $0x1;
	s19 =	simm.s32 $0x0;
	v39 =	vld [tilespmem:s21+$0x5280];
	v50 =	vadd.f32 v51, v52;
	v51 =	vmul.f32 v45, v18;
	v49 =	vmul.f32 v32, v31  }
.LBB2_5:
0xb0: {  	p1 =	sne.s32 s20, $0x1F  }
0xb1: {  	v45 =	vmul.f32 v45, v28;
	v52 =	vmul.f32 v44, v30;
	s18 =	sadd.s32 $0x10, s18;
	s22 =	smov.u32 s20;
	s20 =	sadd.s32 $0x1, s20  }
0xb2: {  	v50 =	vadd.f32 v51, v50;
	v44 =	vmul.f32 v44, v15;
	v46 =	vadd.f32 v49, v46  }
0xb3: {  	v36 =	vmul.f32 v36, v7;
	v45 =	vadd.f32 v45, v48;
	v48 =	vmul.f32 v38, v22;
	v49 =	vld [tilespmem:s21+$0x5500]  }
0xb4: {  	v35 =	vadd.f32 v35, v41;
	v33 =	vadd.f32 v33, v47;
	v47 =	vmul.f32 v37, v23;
	v41 =	vld [tilespmem:s21+$0x5480]  }
0xb5: {  	v32 =	vmul.f32 v32, v4;
	v38 =	vmul.f32 v38, v5;
	v45 =	vadd.f32 v48, v45  }
0xb6: {  	v36 =	vadd.f32 v36, v42;
	v42 =	vmul.f32 v39, v2;
	v35 =	vadd.f32 v44, v35  }
0xb7: {  	v34 =	vadd.f32 v34, v43;
	v37 =	vmul.f32 v37, v3;
	v32 =	vadd.f32 v32, v40  }
0xb8: {  	v39 =	vmul.f32 v39, v10;
	v38 =	vadd.f32 v38, v50;
	v40 =	vmul.f32 v49, v14  }
0xb9: {  	v32 =	vadd.f32 v37, v32;
	v44 =	vmul.f32 v49, v0;
	v43 =	vmul.f32 v41, v1  }
0xba: {  	v36 =	vadd.f32 v42, v36;
	v34 =	vadd.f32 v39, v34;
	v37 =	vmul.f32 v41, v6  }
0xbb: {  	v33 =	vadd.f32 v52, v33;
	v39 =	vadd.f32 v47, v46  }
0xbc: {  	v35 =	vadd.f32 v44, v35;
	v36 =	vadd.f32 v43, v36  }
0xbd: {  	v33 =	vadd.f32 v40, v33;
	v34 =	vadd.f32 v37, v34  }
0xbe: {  	v32 =	vadd.f32 v32, v35;
	v36 =	vadd.f32 v36, v38  }
0xbf: {  	s19 =	sshll.u32 s19, $0x5;
	s23 =	sand.u32 $0x70, s18;
	s21 =	sshll.u32 s22, $0x7;
	v33 =	vadd.f32 v39, v33;
	v34 =	vadd.f32 v34, v45  }
0xc0: {  	s24 =	sand.u32 $0x3FFFFF00, s19;
	s19 =	smov.u32 s22;
	s21 =	sand.u32 $0x3FFFFC00, s21;
	v32 =	vadd.f32 v32, v36  }
0xc1: {  	s22 =	sor.u32 s17, s24;
	s17 =	smov.u32 s23;
	s21 =	sor.u32 s23, s21;
	v33 =	vadd.f32 v33, v34  }
0xc2: {  	[tilespmem:s22+$0xA200] =	vst v32  }
0xc3: {  	[tilespmem:s22+$0xA280] =	vst v33  }
0xc4: {  	v37 =	vld [tilespmem:s21+$0x200]  }
0xc5: {  	v34 =	vld [tilespmem:s21+$0x580]  }
0xc6: {  	v32 =	vld [tilespmem:s21+$0x500]  }
0xc7: {  	v38 =	vld [tilespmem:s21+$0x400]  }
0xc8: {  	v39 =	vld [tilespmem:s21+$0x380]  }
0xc9: {  	v36 =	vld [tilespmem:s21+$0x480]  }
0xca: {  	v40 =	vld [tilespmem:s21+$0x300];
	v43 =	vmul.f32 v34, v17  }
0xcb: {  	v35 =	vmul.f32 v32, v16;
	v33 =	vmul.f32 v32, v27;
	v32 =	vld [tilespmem:s21+$0x5380]  }
0xcc: {  	v42 =	vmul.f32 v34, v29;
	v50 =	vld [tilespmem:s21+$0x280];
	v51 =	vmul.f32 v38, v13  }
0xcd: {  	v47 =	vmul.f32 v38, v25;
	v46 =	vmul.f32 v39, v24;
	v45 =	vld [tilespmem:s21+$0x5200]  }
.Ltmp4:
0xce: {  	v48 =	vmul.f32 v37, v19;
	v34 =	vmul.f32 v36, v26;
	v44 =	vld [tilespmem:s21+$0x5300];
	(pc) =	sbr.rel @p1 .LBB2_5-.Ltmp4, $4  }
0xcf: {  	v39 =	vmul.f32 v39, v12;
	v41 =	vmul.f32 v40, v11;
	v46 =	vadd.f32 v42, v46;
	v38 =	vld [tilespmem:s21+$0x5400]  }
0xd0: {  	v52 =	vmul.f32 v37, v8;
	v48 =	vadd.f32 v47, v48;
	v49 =	vmul.f32 v32, v31;
	v37 =	vld [tilespmem:s21+$0x5580]  }
0xd1: {  	v47 =	vmul.f32 v40, v21;
	v40 =	vadd.f32 v43, v39;
	v42 =	vmul.f32 v50, v9;
	v39 =	vld [tilespmem:s21+$0x5280]  }
0xd2: {  	v43 =	vmul.f32 v50, v20;
	v50 =	vadd.f32 v51, v52;
	v51 =	vmul.f32 v45, v18  }
.Ltmp5:
0xd3: {  	_ = 	snop;
	(pc) =	sbr.rel .LBB2_6-.Ltmp5, $1  }
0xd4: {  	_ =	sdelay $0x3  }
.LBB2_8:
0xd5: {  	_ =	sfence.sel $0x180000  }
0xd6: {  	[bflag:$0x0] =	sbarrier.arrive $0xFFFF  }
0xd7: {  	p0 =	sne.s32 s0, $0x0;
	_ =	strace $0x90000047  }
0xd8: {  	s0 =	sadd.s32 @!p0 $0x100000, s1;
	[bflag:$0x2] =	sbarrier.arrive $0xFFFF  }
0xd9: {  	[sflag:s0] =	ssyncadd.tile.s32 @!p0 $0x1;
	_ =	shalt  }
.Lfunc_end2:
_tile_overlayer_lowered:
.L_overlay_start_2:
0xda: {  	(tag) =	ssettag $0x2  }
0xdb: {  	s0 =	rddreg [dreg:$0x0];
	s2 =	stileid.u32  }
0xdc: {  	s1 =	rddreg [dreg:$0x1];
	p0 =	sne.s32 s2, $0x0  }
0xdd: {  	s3 =	rddreg [dreg:$0x2];
	[bflag:$0x3] =	sbarrier.arrive $0xFFFF;
	s2 =	simm.s32 @!p0 $0x1C01  }
0xde: {  	[timem:s3], [sflag:s2] =	dma.local @!p0 [hbm:s0], s1  }
0xdf: {  	s0 =	simm.s32 @!p0 $0x1  }
0xe0: {  	_ =	swait.ge @!p0 [sflag:s0], s1  }
0xe1: {  	s1 =	ssub.s32 @!p0 $0x0, s1;
	[sflag:s0] =	ssyncset.done @!p0 $0x0  }
0xe2: {  	[sflag:s0] =	ssyncadd.s32 @!p0 s1  }
0xe3: {  	[bflag:$0x3] =	sbarrier.arrive $0xFFFF  }
0xe4: {  	_ =	shalt  }

</sc_bundles>
